<compile_context>
chip_gen: v7x
topology: tpu7x:2x2x1
jax: 0.10.2.dev20260603
libtpu: 0.0.44.dev20260713+nightly
codegen_flags: <defaults>
</compile_context>

<pallas_src>
import functools

import jax
import jax.numpy as jnp
from jax import lax
from jax.experimental import pallas as pl
from jax.experimental.pallas import tpu as pltpu
from jax.experimental.pallas import tpu_sc as plsc

N_NODES = 10000
N_EDGES = 320000
F_NODE = 128
F_EDGE = 16
D_MSG = 2 * F_NODE

NW = 32
EPW = N_EDGES // NW
CHUNK = 80
NCH = EPW // CHUNK
N_NODES_PAD = 10240
NPS = N_NODES_PAD // 16

def _pack_halves(h):
    fb = jax.lax.bitcast_convert_type(
        h[:, :F_NODE].astype(jnp.bfloat16), jnp.uint16
    ).astype(jnp.uint32)
    sb = jax.lax.bitcast_convert_type(
        h[:, F_NODE:].astype(jnp.bfloat16), jnp.uint16
    ).astype(jnp.uint32)
    return jax.lax.bitcast_convert_type((sb << 16) | fb, jnp.int32)


def _unpack_halves(x):
    xu = jax.lax.bitcast_convert_type(x, jnp.uint32)
    f = jax.lax.bitcast_convert_type(xu << 16, jnp.float32)
    s = jax.lax.bitcast_convert_type(xu & jnp.uint32(0xFFFF0000), jnp.float32)
    return f, s


def _proj_body(nf_ref, ws_ref, wd_ref, bs_ref, bd_ref, hs_ref, hd_ref):
    x = nf_ref[...]
    hs_ref[...] = _pack_halves(
        jnp.dot(x, ws_ref[...], preferred_element_type=jnp.float32) + bs_ref[...]
    )
    hd_ref[...] = _pack_halves(
        jnp.dot(x, wd_ref[...], preferred_element_type=jnp.float32) + bd_ref[...]
    )


def _proj(node_feats, ws_t, wd_t, bs, bd):
    blk = 1000
    grid = N_NODES // blk
    return pl.pallas_call(
        _proj_body,
        grid=(grid,),
        in_specs=[
            pl.BlockSpec((blk, F_NODE), lambda i: (i, 0)),
            pl.BlockSpec((F_NODE, D_MSG), lambda i: (0, 0)),
            pl.BlockSpec((F_NODE, D_MSG), lambda i: (0, 0)),
            pl.BlockSpec((1, D_MSG), lambda i: (0, 0)),
            pl.BlockSpec((1, D_MSG), lambda i: (0, 0)),
        ],
        out_specs=[
            pl.BlockSpec((blk, F_NODE), lambda i: (i, 0)),
            pl.BlockSpec((blk, F_NODE), lambda i: (i, 0)),
        ],
        out_shape=[
            jax.ShapeDtypeStruct((N_NODES, F_NODE), jnp.int32),
            jax.ShapeDtypeStruct((N_NODES, F_NODE), jnp.int32),
        ],
    )(node_feats, ws_t, wd_t, bs, bd)


def _gather_body(hsrc, hdst, src3, dst3, g1, g2, idxs, idxd,
                 r0, r1, r2, q0, q1, q2,
                 sg0, sg1, sg2, sq0, sq1, sq2,
                 swr0, swr1, swr2, swq0, swq1, swq2):
    c = lax.axis_index("c")
    s = lax.axis_index("s")
    wid = s * 2 + c
    base = wid * EPW
    pltpu.sync_copy(src3.at[wid], idxs)
    pltpu.sync_copy(dst3.at[wid], idxd)

    bufs = [
        (r0, q0, sg0, sq0, swr0, swq0),
        (r1, q1, sg1, sq1, swr1, swq1),
        (r2, q2, sg2, sq2, swr2, swq2),
    ]

    def issue(k, buf):
        rows, rows2, ss, sd, _, _ = buf
        pltpu.async_copy(hsrc.at[idxs.at[k]], rows, ss)
        pltpu.async_copy(hdst.at[idxd.at[k]], rows2, sd)

    def process(k, buf, nbuf):
        rows, rows2, ss, sd, swr, swq = buf
        n_rows, n_rows2, _, _, n_swr, n_swq = nbuf
        pltpu.make_async_copy(hsrc.at[idxs.at[k]], rows, ss).wait()
        pltpu.make_async_copy(hdst.at[idxd.at[k]], rows2, sd).wait()

        @pl.when(k + 2 < NCH)
        def _():
            @pl.when(k >= 1)
            def _():
                off_prev = pl.multiple_of(base + (k - 1) * CHUNK, 8)
                pltpu.make_async_copy(
                    n_rows, g1.at[pl.ds(off_prev, CHUNK)], n_swr
                ).wait()
                pltpu.make_async_copy(
                    n_rows2, g2.at[pl.ds(off_prev, CHUNK)], n_swq
                ).wait()

            issue(k + 2, nbuf)

        off = pl.multiple_of(base + k * CHUNK, 8)
        pltpu.async_copy(rows, g1.at[pl.ds(off, CHUNK)], swr)
        pltpu.async_copy(rows2, g2.at[pl.ds(off, CHUNK)], swq)

    issue(0, bufs[0])
    issue(1, bufs[1])

    def body(k, carry):
        for p in range(3):
            @pl.when(k % 3 == p)
            def _(p=p):
                process(k, bufs[p], bufs[(p + 2) % 3])

        return carry

    lax.fori_loop(0, NCH, body, 0)
    for kk in (NCH - 3, NCH - 2, NCH - 1):
        rows, rows2, _, _, swr, swq = bufs[kk % 3]
        off = pl.multiple_of(base + kk * CHUNK, 8)
        pltpu.make_async_copy(rows, g1.at[pl.ds(off, CHUNK)], swr).wait()
        pltpu.make_async_copy(rows2, g2.at[pl.ds(off, CHUNK)], swq).wait()


@functools.cache
def _gather_kernel():
    return pl.kernel(
        _gather_body,
        out_type=[
            jax.ShapeDtypeStruct((N_EDGES, F_NODE), jnp.int32),
            jax.ShapeDtypeStruct((N_EDGES, F_NODE), jnp.int32),
        ],
        mesh=plsc.VectorSubcoreMesh(core_axis_name="c", subcore_axis_name="s"),
        scratch_types=(
            [pltpu.VMEM((NCH, CHUNK), jnp.int32)] * 2
            + [pltpu.VMEM((CHUNK, F_NODE), jnp.int32)] * 6
            + [pltpu.SemaphoreType.DMA] * 12
        ),
    )


def _stats_body(g1_ref, g2_ref, ef_ref, we_ref, sums_ref):
    i = pl.program_id(0)
    g1f, g1s = _unpack_halves(g1_ref[...])
    g2f, g2s = _unpack_halves(g2_ref[...])
    ep = jnp.dot(ef_ref[...], we_ref[...], preferred_element_type=jnp.float32)
    mf = g1f + g2f + ep[:, :F_NODE]
    ms = g1s + g2s + ep[:, F_NODE:]
    s1 = jnp.concatenate(
        [jnp.sum(mf, axis=0, keepdims=True), jnp.sum(ms, axis=0, keepdims=True)],
        axis=1,
    )
    s2 = jnp.concatenate(
        [jnp.sum(mf * mf, axis=0, keepdims=True),
         jnp.sum(ms * ms, axis=0, keepdims=True)],
        axis=1,
    )
    blk = jnp.concatenate(
        [s1, s2, jnp.zeros((6, D_MSG), jnp.float32)], axis=0
    )

    @pl.when(i == 0)
    def _():
        sums_ref[...] = blk

    @pl.when(i > 0)
    def _():
        sums_ref[...] = sums_ref[...] + blk


def _edge_stats(g1, g2, edge_feats, we_t):
    blk = 2000
    grid = N_EDGES // blk
    return pl.pallas_call(
        _stats_body,
        grid=(grid,),
        in_specs=[
            pl.BlockSpec((blk, F_NODE), lambda i: (i, 0)),
            pl.BlockSpec((blk, F_NODE), lambda i: (i, 0)),
            pl.BlockSpec((blk, F_EDGE), lambda i: (i, 0)),
            pl.BlockSpec((F_EDGE, D_MSG), lambda i: (0, 0)),
        ],
        out_specs=pl.BlockSpec((8, D_MSG), lambda i: (0, 0)),
        out_shape=jax.ShapeDtypeStruct((8, D_MSG), jnp.float32),
    )(g1, g2, edge_feats, we_t)


def _gate_body(g1_ref, g2_ref, ef_ref, we_ref, sums_ref, gm_ref, bm_ref, m_ref):
    s1 = sums_ref[0:1, :]
    s2 = sums_ref[1:2, :]
    mean = s1 * (1.0 / N_EDGES)
    var = s2 * (1.0 / N_EDGES) - mean * mean
    scale = gm_ref[...] / jnp.sqrt(var + 1e-5)
    shift = bm_ref[...] - mean * scale
    g1f, g1s = _unpack_halves(g1_ref[...])
    g2f, g2s = _unpack_halves(g2_ref[...])
    ep = jnp.dot(ef_ref[...], we_ref[...], preferred_element_type=jnp.float32)
    mn_f = (g1f + g2f + ep[:, :F_NODE]) * scale[:, :F_NODE] \
        + shift[:, :F_NODE]
    mn_s = (g1s + g2s + ep[:, F_NODE:]) * scale[:, F_NODE:] \
        + shift[:, F_NODE:]
    sig = 1.0 / (1.0 + jnp.exp(-mn_f))
    sp = jnp.maximum(mn_s, 0.0) + jnp.log1p(jnp.exp(-jnp.abs(mn_s)))
    m_ref[...] = sig * sp


def _edge_gate(g1, g2, edge_feats, we_t, sums, gamma_msg, beta_msg):
    blk = 2000
    grid = N_EDGES // blk
    return pl.pallas_call(
        _gate_body,
        grid=(grid,),
        in_specs=[
            pl.BlockSpec((blk, F_NODE), lambda i: (i, 0)),
            pl.BlockSpec((blk, F_NODE), lambda i: (i, 0)),
            pl.BlockSpec((blk, F_EDGE), lambda i: (i, 0)),
            pl.BlockSpec((F_EDGE, D_MSG), lambda i: (0, 0)),
            pl.BlockSpec((8, D_MSG), lambda i: (0, 0)),
            pl.BlockSpec((1, D_MSG), lambda i: (0, 0)),
            pl.BlockSpec((1, D_MSG), lambda i: (0, 0)),
        ],
        out_specs=pl.BlockSpec((blk, F_NODE), lambda i: (i, 0)),
        out_shape=jax.ShapeDtypeStruct((N_EDGES, F_NODE), jnp.float32),
    )(g1, g2, edge_feats, we_t, sums, gamma_msg, beta_msg)


def _scatter_body(m, dst3, out, idxd, ma, mb, mc, acc, sla, slb, slc, ssa, ssb, ssc):
    c = lax.axis_index("c")
    s = lax.axis_index("s")
    wid = s * 2 + c
    base = wid * EPW
    pltpu.sync_copy(dst3.at[wid], idxd)
    z = jnp.zeros((16,), jnp.float32)

    def zb(r, carry):
        for cc in range(F_NODE // 16):
            ma[r, pl.ds(cc * 16, 16)] = z
        return carry

    lax.fori_loop(0, CHUNK, zb, 0)
    for j in range(NPS // CHUNK):
        pltpu.sync_copy(ma, acc.at[pl.ds(s * NPS + j * CHUNK, CHUNK)])
    plsc.subcore_barrier()

    def issue_load(k, mbuf, sl):
        off = pl.multiple_of(base + k * CHUNK, 8)
        pltpu.async_copy(m.at[pl.ds(off, CHUNK)], mbuf, sl)

    mbufs = [(ma, sla, ssa), (mb, slb, ssb), (mc, slc, ssc)]

    def process(k, buf, nbuf):
        mbuf, sl, ss = buf
        n_mbuf, n_sl, n_ss = nbuf
        off = pl.multiple_of(base + k * CHUNK, 8)
        pltpu.make_async_copy(m.at[pl.ds(off, CHUNK)], mbuf, sl).wait()

        @pl.when(k + 2 < NCH)
        def _():
            @pl.when(k >= 1)
            def _():
                pltpu.make_async_copy(
                    n_mbuf, acc.at[idxd.at[k - 1]], n_ss
                ).wait()

            issue_load(k + 2, n_mbuf, n_sl)

        pltpu.async_copy(mbuf, acc.at[idxd.at[k]], ss, add=True)

    issue_load(0, ma, sla)
    issue_load(1, mb, slb)

    def body(k, carry):
        for p in range(3):
            @pl.when(k % 3 == p)
            def _(p=p):
                process(k, mbufs[p], mbufs[(p + 2) % 3])

        return carry

    lax.fori_loop(0, NCH, body, 0)
    for kk in (NCH - 3, NCH - 2, NCH - 1):
        mbuf, _, ss = mbufs[kk % 3]
        pltpu.make_async_copy(mbuf, acc.at[idxd.at[kk]], ss).wait()
    plsc.subcore_barrier()
    pltpu.sync_copy(
        acc.at[pl.ds(s * NPS, NPS)],
        out.at[pl.ds(c * N_NODES_PAD + s * NPS, NPS)],
    )


@functools.cache
def _scatter_kernel():
    return pl.kernel(
        _scatter_body,
        out_type=jax.ShapeDtypeStruct((2 * N_NODES_PAD, F_NODE), jnp.float32),
        mesh=plsc.VectorSubcoreMesh(core_axis_name="c", subcore_axis_name="s"),
        scratch_types=(
            [pltpu.VMEM((NCH, CHUNK), jnp.int32)]
            + [pltpu.VMEM((CHUNK, F_NODE), jnp.float32)] * 3
            + [pltpu.VMEM_SHARED((N_NODES_PAD, F_NODE), jnp.float32)]
            + [pltpu.SemaphoreType.DMA] * 6
        ),
    )


def _final_body(p_ref, nf_ref, gamma_ref, beta_ref, out_ref):
    h = p_ref[0, :N_NODES, :] + p_ref[1, :N_NODES, :]
    mu = jnp.mean(h, axis=0, keepdims=True)
    var = jnp.mean((h - mu) ** 2, axis=0, keepdims=True)
    hb = gamma_ref[...] * (h - mu) / jnp.sqrt(var + 1e-5) + beta_ref[...]
    out_ref[...] = jax.nn.softplus(nf_ref[...] + hb)


def _final(partials, node_feats, gamma, beta):
    return pl.pallas_call(
        _final_body,
        in_specs=[
            pl.BlockSpec((2, N_NODES_PAD, F_NODE), lambda: (0, 0, 0)),
            pl.BlockSpec((N_NODES, F_NODE), lambda: (0, 0)),
            pl.BlockSpec((1, F_NODE), lambda: (0, 0)),
            pl.BlockSpec((1, F_NODE), lambda: (0, 0)),
        ],
        out_specs=pl.BlockSpec((N_NODES, F_NODE), lambda: (0, 0)),
        out_shape=jax.ShapeDtypeStruct((N_NODES, F_NODE), jnp.float32),
    )(partials, node_feats, gamma, beta)


def kernel(node_feats, edge_feats, edge_index, W_src, b_src, W_dst, b_dst,
           W_edge, b_edge, gamma_msg, beta_msg, gamma_bn, beta_bn):
    src = edge_index[0]
    dst = edge_index[1]
    h_src, h_dst = _proj(
        node_feats, W_src.T, W_dst.T, b_src.reshape(1, -1), b_dst.reshape(1, -1)
    )
    src3 = src.reshape(NW, NCH, CHUNK)
    dst3 = dst.reshape(NW, NCH, CHUNK)
    g1, g2 = _gather_kernel()(h_src, h_dst, src3, dst3)
    sums = _edge_stats(g1, g2, edge_feats, W_edge.T)
    m = _edge_gate(
        g1, g2, edge_feats, W_edge.T, sums,
        gamma_msg.reshape(1, -1), beta_msg.reshape(1, -1)
    )
    partials = _scatter_kernel()(m, dst3)
    out = _final(
        partials.reshape(2, N_NODES_PAD, F_NODE),
        node_feats,
        gamma_bn.reshape(1, -1),
        beta_bn.reshape(1, -1),
    )
    return (out, m)

# --- scband reference (transcript-rebuilt; emitter-appended) ---
"""Pipeline reference for scband-cgcnnconv-32031866093816 (READ-ONLY COPY).

The authoritative reference and input builder live on the scoring server;
editing this copy changes nothing except your own understanding.
"""

import jax, jax.numpy as jnp
import numpy as np

N_NODES = 10000
N_EDGES = 320000
F_NODE = 128
F_EDGE = 16


def _batchnorm(x, gamma, beta, eps=1e-5):
    mu = jnp.mean(x, axis=0)
    var = jnp.var(x, axis=0)
    return gamma * (x - mu) / jnp.sqrt(var + eps) + beta


def setup_inputs(seed: int = 0) -> dict:
    key = jax.random.key(seed)
    ks = jax.random.split(key, 12)
    node_feats = jax.random.normal(ks[0], (N_NODES, F_NODE), dtype=jnp.float32)
    edge_feats = jax.random.normal(ks[1], (N_EDGES, F_EDGE), dtype=jnp.float32)
    edge_index = jax.random.randint(ks[2], (2, N_EDGES), 0, N_NODES, dtype=jnp.int32)
    s_n = 1.0 / np.sqrt(F_NODE)
    s_e = 1.0 / np.sqrt(F_EDGE)
    W_src = jax.random.uniform(ks[3], (2 * F_NODE, F_NODE), jnp.float32, -s_n, s_n)
    b_src = jax.random.uniform(ks[4], (2 * F_NODE,), jnp.float32, -s_n, s_n)
    W_dst = jax.random.uniform(ks[5], (2 * F_NODE, F_NODE), jnp.float32, -s_n, s_n)
    b_dst = jax.random.uniform(ks[6], (2 * F_NODE,), jnp.float32, -s_n, s_n)
    W_edge = jax.random.uniform(ks[7], (2 * F_NODE, F_EDGE), jnp.float32, -s_e, s_e)
    b_edge = jax.random.uniform(ks[8], (2 * F_NODE,), jnp.float32, -s_e, s_e)
    gamma_msg = jnp.ones((2 * F_NODE,), jnp.float32)
    beta_msg = jnp.zeros((2 * F_NODE,), jnp.float32)
    gamma_bn = jnp.ones((F_NODE,), jnp.float32)
    beta_bn = jnp.zeros((F_NODE,), jnp.float32)
    return {
        "node_feats": node_feats,
        "edge_feats": edge_feats,
        "edge_index": edge_index,
        "W_src": W_src, "b_src": b_src,
        "W_dst": W_dst, "b_dst": b_dst,
        "W_edge": W_edge, "b_edge": b_edge,
        "gamma_msg": gamma_msg, "beta_msg": beta_msg,
        "gamma_bn": gamma_bn, "beta_bn": beta_bn,
    }


def reference(node_feats, edge_feats, edge_index, W_src, b_src, W_dst, b_dst,
              W_edge, b_edge, gamma_msg, beta_msg, gamma_bn, beta_bn):
    src = edge_index[0]
    dst = edge_index[1]
    h_src = node_feats @ W_src.T + b_src
    h_dst = node_feats @ W_dst.T + b_dst
    # u_add_v: per-edge sum of source h_src and destination h_dst (gathers)
    h_nodes = jnp.take(h_src, src, axis=0) + jnp.take(h_dst, dst, axis=0)
    m = h_nodes + edge_feats @ W_edge.T + b_edge
    m = _batchnorm(m, gamma_msg, beta_msg)
    h_f, h_s = jnp.split(m, 2, axis=1)
    m = jax.nn.sigmoid(h_f) * jax.nn.softplus(h_s)
    # copy_e + sum reduce: scatter-add messages to destination nodes
    h = jax.ops.segment_sum(m, dst, num_segments=N_NODES)
    h = _batchnorm(h, gamma_bn, beta_bn)
    out = jax.nn.softplus(node_feats + h)
    return (out, m)

if __name__ == "__main__":
    import jax
    _d = setup_inputs()
    print(jax.jit(kernel)(*tuple(_d.values())))

</pallas_src>

<mosaic_0001>
#map = affine_map<(d0, d1) -> (0, 0)>
#map1 = affine_map<(d0, d1) -> (0, 0, 0)>
module attributes {stable_mosaic.version = 14 : i64} {
  func.func @_gather_body(%arg0: i32, %arg1: i32, %arg2: memref<10000x128xi32, #tpu.memory_space<hbm>>, %arg3: memref<10000x128xi32, #tpu.memory_space<hbm>>, %arg4: memref<32x125x80xi32, #tpu.memory_space<hbm>>, %arg5: memref<32x125x80xi32, #tpu.memory_space<hbm>>, %arg6: memref<320000x128xi32, #tpu.memory_space<hbm>>, %arg7: memref<320000x128xi32, #tpu.memory_space<hbm>>, %arg8: memref<125x80xi32, #tpu.memory_space<vmem>>, %arg9: memref<125x80xi32, #tpu.memory_space<vmem>>, %arg10: memref<80x128xi32, #tpu.memory_space<vmem>>, %arg11: memref<80x128xi32, #tpu.memory_space<vmem>>, %arg12: memref<80x128xi32, #tpu.memory_space<vmem>>, %arg13: memref<80x128xi32, #tpu.memory_space<vmem>>, %arg14: memref<80x128xi32, #tpu.memory_space<vmem>>, %arg15: memref<80x128xi32, #tpu.memory_space<vmem>>, %arg16: memref<!tpu.dma_semaphore, #tpu.memory_space<semaphore_mem>>, %arg17: memref<!tpu.dma_semaphore, #tpu.memory_space<semaphore_mem>>, %arg18: memref<!tpu.dma_semaphore, #tpu.memory_space<semaphore_mem>>, %arg19: memref<!tpu.dma_semaphore, #tpu.memory_space<semaphore_mem>>, %arg20: memref<!tpu.dma_semaphore, #tpu.memory_space<semaphore_mem>>, %arg21: memref<!tpu.dma_semaphore, #tpu.memory_space<semaphore_mem>>, %arg22: memref<!tpu.dma_semaphore, #tpu.memory_space<semaphore_mem>>, %arg23: memref<!tpu.dma_semaphore, #tpu.memory_space<semaphore_mem>>, %arg24: memref<!tpu.dma_semaphore, #tpu.memory_space<semaphore_mem>>, %arg25: memref<!tpu.dma_semaphore, #tpu.memory_space<semaphore_mem>>, %arg26: memref<!tpu.dma_semaphore, #tpu.memory_space<semaphore_mem>>, %arg27: memref<!tpu.dma_semaphore, #tpu.memory_space<semaphore_mem>>) attributes {dimension_semantics = [#tpu.dimension_semantics<core_parallel>, #tpu.dimension_semantics<subcore_parallel>], iteration_bounds = array<i64: 2, 16>, scalar_prefetch = 0 : i64, scratch_operands = 20 : i64, tpu.core_type = #tpu.core_type<sc_vector_subcore>, window_params = [{transform_indices = #map}, {transform_indices = #map}, {transform_indices = #map1}, {transform_indices = #map1}, {transform_indices = #map}, {transform_indices = #map}]} {
    %mul3A = arith.constant 2 : i32
    %mul3A_0 = arith.muli %arg1, %mul3A : i32
    %add3A = arith.addi %mul3A_0, %arg0 : i32
    %mul3A_1 = arith.constant 10000 : i32
    %mul3A_2 = arith.muli %add3A, %mul3A_1 : i32
    "tpu.region"() ({
      %run_scoped3A = tpu.sem_alloc : memref<!tpu.dma_semaphore, #tpu.memory_space<semaphore_mem>>
      %dma_start3A_66 = arith.constant 0 : i32
      %dma_start3A_67 = arith.constant 0 : i32
      %dma_start3A_68 = tpu.memref_slice %arg4[%add3A, %dma_start3A_66, %dma_start3A_67] : memref<32x125x80xi32, #tpu.memory_space<hbm>> -> memref<1x125x80xi32, #tpu.memory_space<hbm>>
      %dma_start3A_69 = tpu.memref_squeeze %dma_start3A_68 : memref<1x125x80xi32, #tpu.memory_space<hbm>> -> memref<125x80xi32, #tpu.memory_space<hbm>>
      %dma_start3A_70 = arith.constant 0 : i32
      %dma_start3A_71 = arith.constant 0 : i32
      %dma_start3A_72 = tpu.memref_slice %arg4[%add3A, %dma_start3A_70, %dma_start3A_71] : memref<32x125x80xi32, #tpu.memory_space<hbm>> -> memref<1x125x80xi32, #tpu.memory_space<hbm>>
      %dma_start3A_73 = tpu.memref_squeeze %dma_start3A_72 : memref<1x125x80xi32, #tpu.memory_space<hbm>> -> memref<125x80xi32, #tpu.memory_space<hbm>>
      tpu.enqueue_dma source(%dma_start3A_73 : memref<125x80xi32, #tpu.memory_space<hbm>>) target(%arg8 : memref<125x80xi32, #tpu.memory_space<vmem>>) target_semaphore(%run_scoped3A : memref<!tpu.dma_semaphore, #tpu.memory_space<semaphore_mem>>)
      %dma_wait3A_74 = arith.constant 0 : i32
      %dma_wait3A_75 = arith.constant 0 : i32
      %dma_wait3A_76 = tpu.memref_slice %arg4[%add3A, %dma_wait3A_74, %dma_wait3A_75] : memref<32x125x80xi32, #tpu.memory_space<hbm>> -> memref<1x125x80xi32, #tpu.memory_space<hbm>>
      %dma_wait3A_77 = tpu.memref_squeeze %dma_wait3A_76 : memref<1x125x80xi32, #tpu.memory_space<hbm>> -> memref<125x80xi32, #tpu.memory_space<hbm>>
      %dma_wait3A_78 = arith.constant 0 : i32
      %dma_wait3A_79 = arith.constant 0 : i32
      %dma_wait3A_80 = tpu.memref_slice %arg4[%add3A, %dma_wait3A_78, %dma_wait3A_79] : memref<32x125x80xi32, #tpu.memory_space<hbm>> -> memref<1x125x80xi32, #tpu.memory_space<hbm>>
      %dma_wait3A_81 = tpu.memref_squeeze %dma_wait3A_80 : memref<1x125x80xi32, #tpu.memory_space<hbm>> -> memref<125x80xi32, #tpu.memory_space<hbm>>
      tpu.wait_dma2 semaphore(%run_scoped3A : memref<!tpu.dma_semaphore, #tpu.memory_space<semaphore_mem>>) src(%dma_wait3A_81 : memref<125x80xi32, #tpu.memory_space<hbm>>) dst(%arg8 : memref<125x80xi32, #tpu.memory_space<vmem>>)
      tpu.yield
    }) : () -> ()
    "tpu.region"() ({
      %run_scoped3A = tpu.sem_alloc : memref<!tpu.dma_semaphore, #tpu.memory_space<semaphore_mem>>
      %dma_start3A_66 = arith.constant 0 : i32
      %dma_start3A_67 = arith.constant 0 : i32
      %dma_start3A_68 = tpu.memref_slice %arg5[%add3A, %dma_start3A_66, %dma_start3A_67] : memref<32x125x80xi32, #tpu.memory_space<hbm>> -> memref<1x125x80xi32, #tpu.memory_space<hbm>>
      %dma_start3A_69 = tpu.memref_squeeze %dma_start3A_68 : memref<1x125x80xi32, #tpu.memory_space<hbm>> -> memref<125x80xi32, #tpu.memory_space<hbm>>
      %dma_start3A_70 = arith.constant 0 : i32
      %dma_start3A_71 = arith.constant 0 : i32
      %dma_start3A_72 = tpu.memref_slice %arg5[%add3A, %dma_start3A_70, %dma_start3A_71] : memref<32x125x80xi32, #tpu.memory_space<hbm>> -> memref<1x125x80xi32, #tpu.memory_space<hbm>>
      %dma_start3A_73 = tpu.memref_squeeze %dma_start3A_72 : memref<1x125x80xi32, #tpu.memory_space<hbm>> -> memref<125x80xi32, #tpu.memory_space<hbm>>
      tpu.enqueue_dma source(%dma_start3A_73 : memref<125x80xi32, #tpu.memory_space<hbm>>) target(%arg9 : memref<125x80xi32, #tpu.memory_space<vmem>>) target_semaphore(%run_scoped3A : memref<!tpu.dma_semaphore, #tpu.memory_space<semaphore_mem>>)
      %dma_wait3A_74 = arith.constant 0 : i32
      %dma_wait3A_75 = arith.constant 0 : i32
      %dma_wait3A_76 = tpu.memref_slice %arg5[%add3A, %dma_wait3A_74, %dma_wait3A_75] : memref<32x125x80xi32, #tpu.memory_space<hbm>> -> memref<1x125x80xi32, #tpu.memory_space<hbm>>
      %dma_wait3A_77 = tpu.memref_squeeze %dma_wait3A_76 : memref<1x125x80xi32, #tpu.memory_space<hbm>> -> memref<125x80xi32, #tpu.memory_space<hbm>>
      %dma_wait3A_78 = arith.constant 0 : i32
      %dma_wait3A_79 = arith.constant 0 : i32
      %dma_wait3A_80 = tpu.memref_slice %arg5[%add3A, %dma_wait3A_78, %dma_wait3A_79] : memref<32x125x80xi32, #tpu.memory_space<hbm>> -> memref<1x125x80xi32, #tpu.memory_space<hbm>>
      %dma_wait3A_81 = tpu.memref_squeeze %dma_wait3A_80 : memref<1x125x80xi32, #tpu.memory_space<hbm>> -> memref<125x80xi32, #tpu.memory_space<hbm>>
      tpu.wait_dma2 semaphore(%run_scoped3A : memref<!tpu.dma_semaphore, #tpu.memory_space<semaphore_mem>>) src(%dma_wait3A_81 : memref<125x80xi32, #tpu.memory_space<hbm>>) dst(%arg9 : memref<125x80xi32, #tpu.memory_space<vmem>>)
      tpu.yield
    }) : () -> ()
    %dma_start3A = arith.constant 0 : i32
    %dma_start3A_3 = arith.constant 0 : i32
    %dma_start3A_4 = tpu.memref_slice %arg8[%dma_start3A, %dma_start3A_3] : memref<125x80xi32, #tpu.memory_space<vmem>> -> memref<1x80xi32, #tpu.memory_space<vmem>>
    %dma_start3A_5 = tpu.memref_squeeze %dma_start3A_4 : memref<1x80xi32, #tpu.memory_space<vmem>> -> memref<80xi32, #tpu.memory_space<vmem>>
    %dma_start3A_6 = arith.constant 0 : i32
    %dma_start3A_7 = arith.constant 0 : i32
    %dma_start3A_8 = tpu.memref_slice %arg2[%dma_start3A_6, %dma_start3A_7] : memref<10000x128xi32, #tpu.memory_space<hbm>> -> memref<10000x128xi32, #tpu.memory_space<hbm>>
    tpu.enqueue_indirect_dma source(%dma_start3A_8 : memref<10000x128xi32, #tpu.memory_space<hbm>>) target(%arg10 : memref<80x128xi32, #tpu.memory_space<vmem>>) offsets(%dma_start3A_5 : memref<80xi32, #tpu.memory_space<vmem>>) semaphore(%arg16 : memref<!tpu.dma_semaphore, #tpu.memory_space<semaphore_mem>>)
    %dma_start3A_9 = arith.constant 0 : i32
    %dma_start3A_10 = arith.constant 0 : i32
    %dma_start3A_11 = tpu.memref_slice %arg9[%dma_start3A_9, %dma_start3A_10] : memref<125x80xi32, #tpu.memory_space<vmem>> -> memref<1x80xi32, #tpu.memory_space<vmem>>
    %dma_start3A_12 = tpu.memref_squeeze %dma_start3A_11 : memref<1x80xi32, #tpu.memory_space<vmem>> -> memref<80xi32, #tpu.memory_space<vmem>>
    %dma_start3A_13 = arith.constant 0 : i32
    %dma_start3A_14 = arith.constant 0 : i32
    %dma_start3A_15 = tpu.memref_slice %arg3[%dma_start3A_13, %dma_start3A_14] : memref<10000x128xi32, #tpu.memory_space<hbm>> -> memref<10000x128xi32, #tpu.memory_space<hbm>>
    tpu.enqueue_indirect_dma source(%dma_start3A_15 : memref<10000x128xi32, #tpu.memory_space<hbm>>) target(%arg13 : memref<80x128xi32, #tpu.memory_space<vmem>>) offsets(%dma_start3A_12 : memref<80xi32, #tpu.memory_space<vmem>>) semaphore(%arg19 : memref<!tpu.dma_semaphore, #tpu.memory_space<semaphore_mem>>)
    %dma_start3A_16 = arith.constant 1 : i32
    %dma_start3A_17 = arith.constant 0 : i32
    %dma_start3A_18 = tpu.memref_slice %arg8[%dma_start3A_16, %dma_start3A_17] : memref<125x80xi32, #tpu.memory_space<vmem>> -> memref<1x80xi32, #tpu.memory_space<vmem>>
    %dma_start3A_19 = tpu.memref_squeeze %dma_start3A_18 : memref<1x80xi32, #tpu.memory_space<vmem>> -> memref<80xi32, #tpu.memory_space<vmem>>
    %dma_start3A_20 = arith.constant 0 : i32
    %dma_start3A_21 = arith.constant 0 : i32
    %dma_start3A_22 = tpu.memref_slice %arg2[%dma_start3A_20, %dma_start3A_21] : memref<10000x128xi32, #tpu.memory_space<hbm>> -> memref<10000x128xi32, #tpu.memory_space<hbm>>
    tpu.enqueue_indirect_dma source(%dma_start3A_22 : memref<10000x128xi32, #tpu.memory_space<hbm>>) target(%arg11 : memref<80x128xi32, #tpu.memory_space<vmem>>) offsets(%dma_start3A_19 : memref<80xi32, #tpu.memory_space<vmem>>) semaphore(%arg17 : memref<!tpu.dma_semaphore, #tpu.memory_space<semaphore_mem>>)
    %dma_start3A_23 = arith.constant 1 : i32
    %dma_start3A_24 = arith.constant 0 : i32
    %dma_start3A_25 = tpu.memref_slice %arg9[%dma_start3A_23, %dma_start3A_24] : memref<125x80xi32, #tpu.memory_space<vmem>> -> memref<1x80xi32, #tpu.memory_space<vmem>>
    %dma_start3A_26 = tpu.memref_squeeze %dma_start3A_25 : memref<1x80xi32, #tpu.memory_space<vmem>> -> memref<80xi32, #tpu.memory_space<vmem>>
    %dma_start3A_27 = arith.constant 0 : i32
    %dma_start3A_28 = arith.constant 0 : i32
    %dma_start3A_29 = tpu.memref_slice %arg3[%dma_start3A_27, %dma_start3A_28] : memref<10000x128xi32, #tpu.memory_space<hbm>> -> memref<10000x128xi32, #tpu.memory_space<hbm>>
    tpu.enqueue_indirect_dma source(%dma_start3A_29 : memref<10000x128xi32, #tpu.memory_space<hbm>>) target(%arg14 : memref<80x128xi32, #tpu.memory_space<vmem>>) offsets(%dma_start3A_26 : memref<80xi32, #tpu.memory_space<vmem>>) semaphore(%arg20 : memref<!tpu.dma_semaphore, #tpu.memory_space<semaphore_mem>>)
    %scan3A = arith.constant 0 : i32
    %scan3A_30 = arith.constant 0 : i32
    %scan3A_31 = arith.constant 125 : i32
    %scan3A_32 = arith.addi %scan3A_30, %scan3A_31 : i32
    %scan3A_33 = arith.constant 1 : i32
    scf.for %scan3A_66 = %scan3A_30 to %scan3A_32 step %scan3A_33  : i32 {
      %jit3A = arith.constant 3 : i32
      %eq3A = arith.constant 0 : i32
      %eq3A_67 = arith.cmpi eq, %jit3A, %eq3A : i32
      %jit3A_68 = arith.constant 1 : i32
      %select_n3A = arith.select %eq3A_67, %jit3A_68, %jit3A : i32
      %rem3A = arith.remsi %scan3A_66, %select_n3A : i32
      %ne3A = arith.constant 0 : i32
      %ne3A_69 = arith.cmpi ne, %rem3A, %ne3A : i32
      %lt3A = arith.constant 0 : i32
      %lt3A_70 = arith.cmpi slt, %rem3A, %lt3A : i32
      %lt3A_71 = arith.constant 0 : i32
      %lt3A_72 = arith.cmpi slt, %select_n3A, %lt3A_71 : i32
      %ne3A_73 = arith.xori %lt3A_70, %lt3A_72 : i1
      %and3A = arith.andi %ne3A_73, %ne3A_69 : i1
      %add3A_74 = arith.addi %rem3A, %select_n3A : i32
      %select_n3A_75 = arith.select %and3A, %add3A_74, %rem3A : i32
      %eq3A_76 = arith.constant 0 : i32
      %eq3A_77 = arith.cmpi eq, %select_n3A_75, %eq3A_76 : i32
      %convert_element_type3A = arith.extui %eq3A_77 : i1 to i32
      %cond3A = arith.constant 0 : i32
      %cond3A_78 = arith.cmpi ne, %convert_element_type3A, %cond3A : i32
      scf.if %cond3A_78 {
        %dma_wait3A_121 = arith.constant 0 : i32
        %dma_wait3A_122 = tpu.memref_slice %arg8[%scan3A_66, %dma_wait3A_121] : memref<125x80xi32, #tpu.memory_space<vmem>> -> memref<1x80xi32, #tpu.memory_space<vmem>>
        %dma_wait3A_123 = tpu.memref_squeeze %dma_wait3A_122 : memref<1x80xi32, #tpu.memory_space<vmem>> -> memref<80xi32, #tpu.memory_space<vmem>>
        %dma_wait3A_124 = arith.constant 0 : i32
        %dma_wait3A_125 = arith.constant 0 : i32
        %dma_wait3A_126 = tpu.memref_slice %arg2[%dma_wait3A_124, %dma_wait3A_125] : memref<10000x128xi32, #tpu.memory_space<hbm>> -> memref<10000x128xi32, #tpu.memory_space<hbm>>
        tpu.wait_indirect_dma semaphore(%arg16 : memref<!tpu.dma_semaphore, #tpu.memory_space<semaphore_mem>>) src(%dma_wait3A_126 : memref<10000x128xi32, #tpu.memory_space<hbm>>) dst(%arg10 : memref<80x128xi32, #tpu.memory_space<vmem>>)
        %dma_wait3A_127 = arith.constant 0 : i32
        %dma_wait3A_128 = tpu.memref_slice %arg9[%scan3A_66, %dma_wait3A_127] : memref<125x80xi32, #tpu.memory_space<vmem>> -> memref<1x80xi32, #tpu.memory_space<vmem>>
        %dma_wait3A_129 = tpu.memref_squeeze %dma_wait3A_128 : memref<1x80xi32, #tpu.memory_space<vmem>> -> memref<80xi32, #tpu.memory_space<vmem>>
        %dma_wait3A_130 = arith.constant 0 : i32
        %dma_wait3A_131 = arith.constant 0 : i32
        %dma_wait3A_132 = tpu.memref_slice %arg3[%dma_wait3A_130, %dma_wait3A_131] : memref<10000x128xi32, #tpu.memory_space<hbm>> -> memref<10000x128xi32, #tpu.memory_space<hbm>>
        tpu.wait_indirect_dma semaphore(%arg19 : memref<!tpu.dma_semaphore, #tpu.memory_space<semaphore_mem>>) src(%dma_wait3A_132 : memref<10000x128xi32, #tpu.memory_space<hbm>>) dst(%arg13 : memref<80x128xi32, #tpu.memory_space<vmem>>)
        %add3A_133 = arith.constant 2 : i32
        %add3A_134 = arith.addi %scan3A_66, %add3A_133 : i32
        %lt3A_135 = arith.constant 125 : i32
        %lt3A_136 = arith.cmpi slt, %add3A_134, %lt3A_135 : i32
        %convert_element_type3A_137 = arith.extui %lt3A_136 : i1 to i32
        %cond3A_138 = arith.constant 0 : i32
        %cond3A_139 = arith.cmpi ne, %convert_element_type3A_137, %cond3A_138 : i32
        scf.if %cond3A_139 {
          %ge3A = arith.constant 1 : i32
          %ge3A_152 = arith.cmpi sge, %scan3A_66, %ge3A : i32
          %convert_element_type3A_153 = arith.extui %ge3A_152 : i1 to i32
          %cond3A_154 = arith.constant 0 : i32
          %cond3A_155 = arith.cmpi ne, %convert_element_type3A_153, %cond3A_154 : i32
          scf.if %cond3A_155 {
            %sub3A = arith.constant 1 : i32
            %sub3A_170 = arith.subi %scan3A_66, %sub3A : i32
            %mul3A_171 = arith.constant 80 : i32
            %mul3A_172 = arith.muli %sub3A_170, %mul3A_171 : i32
            %add3A_173 = arith.addi %mul3A_2, %mul3A_172 : i32
            %multiple_of3A_174 = tpu.assume_multiple %add3A_173, 8 : i32
            %dma_wait3A_175 = arith.constant 0 : i32
            %dma_wait3A_176 = tpu.memref_slice %arg6[%multiple_of3A_174, %dma_wait3A_175] : memref<320000x128xi32, #tpu.memory_space<hbm>> -> memref<80x128xi32, #tpu.memory_space<hbm>>
            %dma_wait3A_177 = arith.constant 0 : i32
            %dma_wait3A_178 = tpu.memref_slice %arg6[%multiple_of3A_174, %dma_wait3A_177] : memref<320000x128xi32, #tpu.memory_space<hbm>> -> memref<80x128xi32, #tpu.memory_space<hbm>>
            tpu.wait_dma2 semaphore(%arg24 : memref<!tpu.dma_semaphore, #tpu.memory_space<semaphore_mem>>) src(%arg12 : memref<80x128xi32, #tpu.memory_space<vmem>>) dst(%dma_wait3A_178 : memref<80x128xi32, #tpu.memory_space<hbm>>)
            %dma_wait3A_179 = arith.constant 0 : i32
            %dma_wait3A_180 = tpu.memref_slice %arg7[%multiple_of3A_174, %dma_wait3A_179] : memref<320000x128xi32, #tpu.memory_space<hbm>> -> memref<80x128xi32, #tpu.memory_space<hbm>>
            %dma_wait3A_181 = arith.constant 0 : i32
            %dma_wait3A_182 = tpu.memref_slice %arg7[%multiple_of3A_174, %dma_wait3A_181] : memref<320000x128xi32, #tpu.memory_space<hbm>> -> memref<80x128xi32, #tpu.memory_space<hbm>>
            tpu.wait_dma2 semaphore(%arg27 : memref<!tpu.dma_semaphore, #tpu.memory_space<semaphore_mem>>) src(%arg15 : memref<80x128xi32, #tpu.memory_space<vmem>>) dst(%dma_wait3A_182 : memref<80x128xi32, #tpu.memory_space<hbm>>)
          } else {
          }
          %add3A_156 = arith.constant 2 : i32
          %add3A_157 = arith.addi %scan3A_66, %add3A_156 : i32
          %dma_start3A_158 = arith.constant 0 : i32
          %dma_start3A_159 = tpu.memref_slice %arg8[%add3A_157, %dma_start3A_158] : memref<125x80xi32, #tpu.memory_space<vmem>> -> memref<1x80xi32, #tpu.memory_space<vmem>>
          %dma_start3A_160 = tpu.memref_squeeze %dma_start3A_159 : memref<1x80xi32, #tpu.memory_space<vmem>> -> memref<80xi32, #tpu.memory_space<vmem>>
          %dma_start3A_161 = arith.constant 0 : i32
          %dma_start3A_162 = arith.constant 0 : i32
          %dma_start3A_163 = tpu.memref_slice %arg2[%dma_start3A_161, %dma_start3A_162] : memref<10000x128xi32, #tpu.memory_space<hbm>> -> memref<10000x128xi32, #tpu.memory_space<hbm>>
          tpu.enqueue_indirect_dma source(%dma_start3A_163 : memref<10000x128xi32, #tpu.memory_space<hbm>>) target(%arg12 : memref<80x128xi32, #tpu.memory_space<vmem>>) offsets(%dma_start3A_160 : memref<80xi32, #tpu.memory_space<vmem>>) semaphore(%arg18 : memref<!tpu.dma_semaphore, #tpu.memory_space<semaphore_mem>>)
          %dma_start3A_164 = arith.constant 0 : i32
          %dma_start3A_165 = tpu.memref_slice %arg9[%add3A_157, %dma_start3A_164] : memref<125x80xi32, #tpu.memory_space<vmem>> -> memref<1x80xi32, #tpu.memory_space<vmem>>
          %dma_start3A_166 = tpu.memref_squeeze %dma_start3A_165 : memref<1x80xi32, #tpu.memory_space<vmem>> -> memref<80xi32, #tpu.memory_space<vmem>>
          %dma_start3A_167 = arith.constant 0 : i32
          %dma_start3A_168 = arith.constant 0 : i32
          %dma_start3A_169 = tpu.memref_slice %arg3[%dma_start3A_167, %dma_start3A_168] : memref<10000x128xi32, #tpu.memory_space<hbm>> -> memref<10000x128xi32, #tpu.memory_space<hbm>>
          tpu.enqueue_indirect_dma source(%dma_start3A_169 : memref<10000x128xi32, #tpu.memory_space<hbm>>) target(%arg15 : memref<80x128xi32, #tpu.memory_space<vmem>>) offsets(%dma_start3A_166 : memref<80xi32, #tpu.memory_space<vmem>>) semaphore(%arg21 : memref<!tpu.dma_semaphore, #tpu.memory_space<semaphore_mem>>)
        } else {
        }
        %mul3A_140 = arith.constant 80 : i32
        %mul3A_141 = arith.muli %scan3A_66, %mul3A_140 : i32
        %add3A_142 = arith.addi %mul3A_2, %mul3A_141 : i32
        %multiple_of3A_143 = tpu.assume_multiple %add3A_142, 8 : i32
        %dma_start3A_144 = arith.constant 0 : i32
        %dma_start3A_145 = tpu.memref_slice %arg6[%multiple_of3A_143, %dma_start3A_144] : memref<320000x128xi32, #tpu.memory_space<hbm>> -> memref<80x128xi32, #tpu.memory_space<hbm>>
        %dma_start3A_146 = arith.constant 0 : i32
        %dma_start3A_147 = tpu.memref_slice %arg6[%multiple_of3A_143, %dma_start3A_146] : memref<320000x128xi32, #tpu.memory_space<hbm>> -> memref<80x128xi32, #tpu.memory_space<hbm>>
        tpu.enqueue_dma source(%arg10 : memref<80x128xi32, #tpu.memory_space<vmem>>) target(%dma_start3A_147 : memref<80x128xi32, #tpu.memory_space<hbm>>) target_semaphore(%arg22 : memref<!tpu.dma_semaphore, #tpu.memory_space<semaphore_mem>>)
        %dma_start3A_148 = arith.constant 0 : i32
        %dma_start3A_149 = tpu.memref_slice %arg7[%multiple_of3A_143, %dma_start3A_148] : memref<320000x128xi32, #tpu.memory_space<hbm>> -> memref<80x128xi32, #tpu.memory_space<hbm>>
        %dma_start3A_150 = arith.constant 0 : i32
        %dma_start3A_151 = tpu.memref_slice %arg7[%multiple_of3A_143, %dma_start3A_150] : memref<320000x128xi32, #tpu.memory_space<hbm>> -> memref<80x128xi32, #tpu.memory_space<hbm>>
        tpu.enqueue_dma source(%arg13 : memref<80x128xi32, #tpu.memory_space<vmem>>) target(%dma_start3A_151 : memref<80x128xi32, #tpu.memory_space<hbm>>) target_semaphore(%arg25 : memref<!tpu.dma_semaphore, #tpu.memory_space<semaphore_mem>>)
      } else {
      }
      %jit3A_79 = arith.constant 3 : i32
      %eq3A_80 = arith.constant 0 : i32
      %eq3A_81 = arith.cmpi eq, %jit3A_79, %eq3A_80 : i32
      %jit3A_82 = arith.constant 1 : i32
      %select_n3A_83 = arith.select %eq3A_81, %jit3A_82, %jit3A_79 : i32
      %rem3A_84 = arith.remsi %scan3A_66, %select_n3A_83 : i32
      %ne3A_85 = arith.constant 0 : i32
      %ne3A_86 = arith.cmpi ne, %rem3A_84, %ne3A_85 : i32
      %lt3A_87 = arith.constant 0 : i32
      %lt3A_88 = arith.cmpi slt, %rem3A_84, %lt3A_87 : i32
      %lt3A_89 = arith.constant 0 : i32
      %lt3A_90 = arith.cmpi slt, %select_n3A_83, %lt3A_89 : i32
      %ne3A_91 = arith.xori %lt3A_88, %lt3A_90 : i1
      %and3A_92 = arith.andi %ne3A_91, %ne3A_86 : i1
      %add3A_93 = arith.addi %rem3A_84, %select_n3A_83 : i32
      %select_n3A_94 = arith.select %and3A_92, %add3A_93, %rem3A_84 : i32
      %eq3A_95 = arith.constant 1 : i32
      %eq3A_96 = arith.cmpi eq, %select_n3A_94, %eq3A_95 : i32
      %convert_element_type3A_97 = arith.extui %eq3A_96 : i1 to i32
      %cond3A_98 = arith.constant 0 : i32
      %cond3A_99 = arith.cmpi ne, %convert_element_type3A_97, %cond3A_98 : i32
      scf.if %cond3A_99 {
        %dma_wait3A_121 = arith.constant 0 : i32
        %dma_wait3A_122 = tpu.memref_slice %arg8[%scan3A_66, %dma_wait3A_121] : memref<125x80xi32, #tpu.memory_space<vmem>> -> memref<1x80xi32, #tpu.memory_space<vmem>>
        %dma_wait3A_123 = tpu.memref_squeeze %dma_wait3A_122 : memref<1x80xi32, #tpu.memory_space<vmem>> -> memref<80xi32, #tpu.memory_space<vmem>>
        %dma_wait3A_124 = arith.constant 0 : i32
        %dma_wait3A_125 = arith.constant 0 : i32
        %dma_wait3A_126 = tpu.memref_slice %arg2[%dma_wait3A_124, %dma_wait3A_125] : memref<10000x128xi32, #tpu.memory_space<hbm>> -> memref<10000x128xi32, #tpu.memory_space<hbm>>
        tpu.wait_indirect_dma semaphore(%arg17 : memref<!tpu.dma_semaphore, #tpu.memory_space<semaphore_mem>>) src(%dma_wait3A_126 : memref<10000x128xi32, #tpu.memory_space<hbm>>) dst(%arg11 : memref<80x128xi32, #tpu.memory_space<vmem>>)
        %dma_wait3A_127 = arith.constant 0 : i32
        %dma_wait3A_128 = tpu.memref_slice %arg9[%scan3A_66, %dma_wait3A_127] : memref<125x80xi32, #tpu.memory_space<vmem>> -> memref<1x80xi32, #tpu.memory_space<vmem>>
        %dma_wait3A_129 = tpu.memref_squeeze %dma_wait3A_128 : memref<1x80xi32, #tpu.memory_space<vmem>> -> memref<80xi32, #tpu.memory_space<vmem>>
        %dma_wait3A_130 = arith.constant 0 : i32
        %dma_wait3A_131 = arith.constant 0 : i32
        %dma_wait3A_132 = tpu.memref_slice %arg3[%dma_wait3A_130, %dma_wait3A_131] : memref<10000x128xi32, #tpu.memory_space<hbm>> -> memref<10000x128xi32, #tpu.memory_space<hbm>>
        tpu.wait_indirect_dma semaphore(%arg20 : memref<!tpu.dma_semaphore, #tpu.memory_space<semaphore_mem>>) src(%dma_wait3A_132 : memref<10000x128xi32, #tpu.memory_space<hbm>>) dst(%arg14 : memref<80x128xi32, #tpu.memory_space<vmem>>)
        %add3A_133 = arith.constant 2 : i32
        %add3A_134 = arith.addi %scan3A_66, %add3A_133 : i32
        %lt3A_135 = arith.constant 125 : i32
        %lt3A_136 = arith.cmpi slt, %add3A_134, %lt3A_135 : i32
        %convert_element_type3A_137 = arith.extui %lt3A_136 : i1 to i32
        %cond3A_138 = arith.constant 0 : i32
        %cond3A_139 = arith.cmpi ne, %convert_element_type3A_137, %cond3A_138 : i32
        scf.if %cond3A_139 {
          %ge3A = arith.constant 1 : i32
          %ge3A_152 = arith.cmpi sge, %scan3A_66, %ge3A : i32
          %convert_element_type3A_153 = arith.extui %ge3A_152 : i1 to i32
          %cond3A_154 = arith.constant 0 : i32
          %cond3A_155 = arith.cmpi ne, %convert_element_type3A_153, %cond3A_154 : i32
          scf.if %cond3A_155 {
            %sub3A = arith.constant 1 : i32
            %sub3A_170 = arith.subi %scan3A_66, %sub3A : i32
            %mul3A_171 = arith.constant 80 : i32
            %mul3A_172 = arith.muli %sub3A_170, %mul3A_171 : i32
            %add3A_173 = arith.addi %mul3A_2, %mul3A_172 : i32
            %multiple_of3A_174 = tpu.assume_multiple %add3A_173, 8 : i32
            %dma_wait3A_175 = arith.constant 0 : i32
            %dma_wait3A_176 = tpu.memref_slice %arg6[%multiple_of3A_174, %dma_wait3A_175] : memref<320000x128xi32, #tpu.memory_space<hbm>> -> memref<80x128xi32, #tpu.memory_space<hbm>>
            %dma_wait3A_177 = arith.constant 0 : i32
            %dma_wait3A_178 = tpu.memref_slice %arg6[%multiple_of3A_174, %dma_wait3A_177] : memref<320000x128xi32, #tpu.memory_space<hbm>> -> memref<80x128xi32, #tpu.memory_space<hbm>>
            tpu.wait_dma2 semaphore(%arg22 : memref<!tpu.dma_semaphore, #tpu.memory_space<semaphore_mem>>) src(%arg10 : memref<80x128xi32, #tpu.memory_space<vmem>>) dst(%dma_wait3A_178 : memref<80x128xi32, #tpu.memory_space<hbm>>)
            %dma_wait3A_179 = arith.constant 0 : i32
            %dma_wait3A_180 = tpu.memref_slice %arg7[%multiple_of3A_174, %dma_wait3A_179] : memref<320000x128xi32, #tpu.memory_space<hbm>> -> memref<80x128xi32, #tpu.memory_space<hbm>>
            %dma_wait3A_181 = arith.constant 0 : i32
            %dma_wait3A_182 = tpu.memref_slice %arg7[%multiple_of3A_174, %dma_wait3A_181] : memref<320000x128xi32, #tpu.memory_space<hbm>> -> memref<80x128xi32, #tpu.memory_space<hbm>>
            tpu.wait_dma2 semaphore(%arg25 : memref<!tpu.dma_semaphore, #tpu.memory_space<semaphore_mem>>) src(%arg13 : memref<80x128xi32, #tpu.memory_space<vmem>>) dst(%dma_wait3A_182 : memref<80x128xi32, #tpu.memory_space<hbm>>)
          } else {
          }
          %add3A_156 = arith.constant 2 : i32
          %add3A_157 = arith.addi %scan3A_66, %add3A_156 : i32
          %dma_start3A_158 = arith.constant 0 : i32
          %dma_start3A_159 = tpu.memref_slice %arg8[%add3A_157, %dma_start3A_158] : memref<125x80xi32, #tpu.memory_space<vmem>> -> memref<1x80xi32, #tpu.memory_space<vmem>>
          %dma_start3A_160 = tpu.memref_squeeze %dma_start3A_159 : memref<1x80xi32, #tpu.memory_space<vmem>> -> memref<80xi32, #tpu.memory_space<vmem>>
          %dma_start3A_161 = arith.constant 0 : i32
          %dma_start3A_162 = arith.constant 0 : i32
          %dma_start3A_163 = tpu.memref_slice %arg2[%dma_start3A_161, %dma_start3A_162] : memref<10000x128xi32, #tpu.memory_space<hbm>> -> memref<10000x128xi32, #tpu.memory_space<hbm>>
          tpu.enqueue_indirect_dma source(%dma_start3A_163 : memref<10000x128xi32, #tpu.memory_space<hbm>>) target(%arg10 : memref<80x128xi32, #tpu.memory_space<vmem>>) offsets(%dma_start3A_160 : memref<80xi32, #tpu.memory_space<vmem>>) semaphore(%arg16 : memref<!tpu.dma_semaphore, #tpu.memory_space<semaphore_mem>>)
          %dma_start3A_164 = arith.constant 0 : i32
          %dma_start3A_165 = tpu.memref_slice %arg9[%add3A_157, %dma_start3A_164] : memref<125x80xi32, #tpu.memory_space<vmem>> -> memref<1x80xi32, #tpu.memory_space<vmem>>
          %dma_start3A_166 = tpu.memref_squeeze %dma_start3A_165 : memref<1x80xi32, #tpu.memory_space<vmem>> -> memref<80xi32, #tpu.memory_space<vmem>>
          %dma_start3A_167 = arith.constant 0 : i32
          %dma_start3A_168 = arith.constant 0 : i32
          %dma_start3A_169 = tpu.memref_slice %arg3[%dma_start3A_167, %dma_start3A_168] : memref<10000x128xi32, #tpu.memory_space<hbm>> -> memref<10000x128xi32, #tpu.memory_space<hbm>>
          tpu.enqueue_indirect_dma source(%dma_start3A_169 : memref<10000x128xi32, #tpu.memory_space<hbm>>) target(%arg13 : memref<80x128xi32, #tpu.memory_space<vmem>>) offsets(%dma_start3A_166 : memref<80xi32, #tpu.memory_space<vmem>>) semaphore(%arg19 : memref<!tpu.dma_semaphore, #tpu.memory_space<semaphore_mem>>)
        } else {
        }
        %mul3A_140 = arith.constant 80 : i32
        %mul3A_141 = arith.muli %scan3A_66, %mul3A_140 : i32
        %add3A_142 = arith.addi %mul3A_2, %mul3A_141 : i32
        %multiple_of3A_143 = tpu.assume_multiple %add3A_142, 8 : i32
        %dma_start3A_144 = arith.constant 0 : i32
        %dma_start3A_145 = tpu.memref_slice %arg6[%multiple_of3A_143, %dma_start3A_144] : memref<320000x128xi32, #tpu.memory_space<hbm>> -> memref<80x128xi32, #tpu.memory_space<hbm>>
        %dma_start3A_146 = arith.constant 0 : i32
        %dma_start3A_147 = tpu.memref_slice %arg6[%multiple_of3A_143, %dma_start3A_146] : memref<320000x128xi32, #tpu.memory_space<hbm>> -> memref<80x128xi32, #tpu.memory_space<hbm>>
        tpu.enqueue_dma source(%arg11 : memref<80x128xi32, #tpu.memory_space<vmem>>) target(%dma_start3A_147 : memref<80x128xi32, #tpu.memory_space<hbm>>) target_semaphore(%arg23 : memref<!tpu.dma_semaphore, #tpu.memory_space<semaphore_mem>>)
        %dma_start3A_148 = arith.constant 0 : i32
        %dma_start3A_149 = tpu.memref_slice %arg7[%multiple_of3A_143, %dma_start3A_148] : memref<320000x128xi32, #tpu.memory_space<hbm>> -> memref<80x128xi32, #tpu.memory_space<hbm>>
        %dma_start3A_150 = arith.constant 0 : i32
        %dma_start3A_151 = tpu.memref_slice %arg7[%multiple_of3A_143, %dma_start3A_150] : memref<320000x128xi32, #tpu.memory_space<hbm>> -> memref<80x128xi32, #tpu.memory_space<hbm>>
        tpu.enqueue_dma source(%arg14 : memref<80x128xi32, #tpu.memory_space<vmem>>) target(%dma_start3A_151 : memref<80x128xi32, #tpu.memory_space<hbm>>) target_semaphore(%arg26 : memref<!tpu.dma_semaphore, #tpu.memory_space<semaphore_mem>>)
      } else {
      }
      %jit3A_100 = arith.constant 3 : i32
      %eq3A_101 = arith.constant 0 : i32
      %eq3A_102 = arith.cmpi eq, %jit3A_100, %eq3A_101 : i32
      %jit3A_103 = arith.constant 1 : i32
      %select_n3A_104 = arith.select %eq3A_102, %jit3A_103, %jit3A_100 : i32
      %rem3A_105 = arith.remsi %scan3A_66, %select_n3A_104 : i32
      %ne3A_106 = arith.constant 0 : i32
      %ne3A_107 = arith.cmpi ne, %rem3A_105, %ne3A_106 : i32
      %lt3A_108 = arith.constant 0 : i32
      %lt3A_109 = arith.cmpi slt, %rem3A_105, %lt3A_108 : i32
      %lt3A_110 = arith.constant 0 : i32
      %lt3A_111 = arith.cmpi slt, %select_n3A_104, %lt3A_110 : i32
      %ne3A_112 = arith.xori %lt3A_109, %lt3A_111 : i1
      %and3A_113 = arith.andi %ne3A_112, %ne3A_107 : i1
      %add3A_114 = arith.addi %rem3A_105, %select_n3A_104 : i32
      %select_n3A_115 = arith.select %and3A_113, %add3A_114, %rem3A_105 : i32
      %eq3A_116 = arith.constant 2 : i32
      %eq3A_117 = arith.cmpi eq, %select_n3A_115, %eq3A_116 : i32
      %convert_element_type3A_118 = arith.extui %eq3A_117 : i1 to i32
      %cond3A_119 = arith.constant 0 : i32
      %cond3A_120 = arith.cmpi ne, %convert_element_type3A_118, %cond3A_119 : i32
      scf.if %cond3A_120 {
        %dma_wait3A_121 = arith.constant 0 : i32
        %dma_wait3A_122 = tpu.memref_slice %arg8[%scan3A_66, %dma_wait3A_121] : memref<125x80xi32, #tpu.memory_space<vmem>> -> memref<1x80xi32, #tpu.memory_space<vmem>>
        %dma_wait3A_123 = tpu.memref_squeeze %dma_wait3A_122 : memref<1x80xi32, #tpu.memory_space<vmem>> -> memref<80xi32, #tpu.memory_space<vmem>>
        %dma_wait3A_124 = arith.constant 0 : i32
        %dma_wait3A_125 = arith.constant 0 : i32
        %dma_wait3A_126 = tpu.memref_slice %arg2[%dma_wait3A_124, %dma_wait3A_125] : memref<10000x128xi32, #tpu.memory_space<hbm>> -> memref<10000x128xi32, #tpu.memory_space<hbm>>
        tpu.wait_indirect_dma semaphore(%arg18 : memref<!tpu.dma_semaphore, #tpu.memory_space<semaphore_mem>>) src(%dma_wait3A_126 : memref<10000x128xi32, #tpu.memory_space<hbm>>) dst(%arg12 : memref<80x128xi32, #tpu.memory_space<vmem>>)
        %dma_wait3A_127 = arith.constant 0 : i32
        %dma_wait3A_128 = tpu.memref_slice %arg9[%scan3A_66, %dma_wait3A_127] : memref<125x80xi32, #tpu.memory_space<vmem>> -> memref<1x80xi32, #tpu.memory_space<vmem>>
        %dma_wait3A_129 = tpu.memref_squeeze %dma_wait3A_128 : memref<1x80xi32, #tpu.memory_space<vmem>> -> memref<80xi32, #tpu.memory_space<vmem>>
        %dma_wait3A_130 = arith.constant 0 : i32
        %dma_wait3A_131 = arith.constant 0 : i32
        %dma_wait3A_132 = tpu.memref_slice %arg3[%dma_wait3A_130, %dma_wait3A_131] : memref<10000x128xi32, #tpu.memory_space<hbm>> -> memref<10000x128xi32, #tpu.memory_space<hbm>>
        tpu.wait_indirect_dma semaphore(%arg21 : memref<!tpu.dma_semaphore, #tpu.memory_space<semaphore_mem>>) src(%dma_wait3A_132 : memref<10000x128xi32, #tpu.memory_space<hbm>>) dst(%arg15 : memref<80x128xi32, #tpu.memory_space<vmem>>)
        %add3A_133 = arith.constant 2 : i32
        %add3A_134 = arith.addi %scan3A_66, %add3A_133 : i32
        %lt3A_135 = arith.constant 125 : i32
        %lt3A_136 = arith.cmpi slt, %add3A_134, %lt3A_135 : i32
        %convert_element_type3A_137 = arith.extui %lt3A_136 : i1 to i32
        %cond3A_138 = arith.constant 0 : i32
        %cond3A_139 = arith.cmpi ne, %convert_element_type3A_137, %cond3A_138 : i32
        scf.if %cond3A_139 {
          %ge3A = arith.constant 1 : i32
          %ge3A_152 = arith.cmpi sge, %scan3A_66, %ge3A : i32
          %convert_element_type3A_153 = arith.extui %ge3A_152 : i1 to i32
          %cond3A_154 = arith.constant 0 : i32
          %cond3A_155 = arith.cmpi ne, %convert_element_type3A_153, %cond3A_154 : i32
          scf.if %cond3A_155 {
            %sub3A = arith.constant 1 : i32
            %sub3A_170 = arith.subi %scan3A_66, %sub3A : i32
            %mul3A_171 = arith.constant 80 : i32
            %mul3A_172 = arith.muli %sub3A_170, %mul3A_171 : i32
            %add3A_173 = arith.addi %mul3A_2, %mul3A_172 : i32
            %multiple_of3A_174 = tpu.assume_multiple %add3A_173, 8 : i32
            %dma_wait3A_175 = arith.constant 0 : i32
            %dma_wait3A_176 = tpu.memref_slice %arg6[%multiple_of3A_174, %dma_wait3A_175] : memref<320000x128xi32, #tpu.memory_space<hbm>> -> memref<80x128xi32, #tpu.memory_space<hbm>>
            %dma_wait3A_177 = arith.constant 0 : i32
            %dma_wait3A_178 = tpu.memref_slice %arg6[%multiple_of3A_174, %dma_wait3A_177] : memref<320000x128xi32, #tpu.memory_space<hbm>> -> memref<80x128xi32, #tpu.memory_space<hbm>>
            tpu.wait_dma2 semaphore(%arg23 : memref<!tpu.dma_semaphore, #tpu.memory_space<semaphore_mem>>) src(%arg11 : memref<80x128xi32, #tpu.memory_space<vmem>>) dst(%dma_wait3A_178 : memref<80x128xi32, #tpu.memory_space<hbm>>)
            %dma_wait3A_179 = arith.constant 0 : i32
            %dma_wait3A_180 = tpu.memref_slice %arg7[%multiple_of3A_174, %dma_wait3A_179] : memref<320000x128xi32, #tpu.memory_space<hbm>> -> memref<80x128xi32, #tpu.memory_space<hbm>>
            %dma_wait3A_181 = arith.constant 0 : i32
            %dma_wait3A_182 = tpu.memref_slice %arg7[%multiple_of3A_174, %dma_wait3A_181] : memref<320000x128xi32, #tpu.memory_space<hbm>> -> memref<80x128xi32, #tpu.memory_space<hbm>>
            tpu.wait_dma2 semaphore(%arg26 : memref<!tpu.dma_semaphore, #tpu.memory_space<semaphore_mem>>) src(%arg14 : memref<80x128xi32, #tpu.memory_space<vmem>>) dst(%dma_wait3A_182 : memref<80x128xi32, #tpu.memory_space<hbm>>)
          } else {
          }
          %add3A_156 = arith.constant 2 : i32
          %add3A_157 = arith.addi %scan3A_66, %add3A_156 : i32
          %dma_start3A_158 = arith.constant 0 : i32
          %dma_start3A_159 = tpu.memref_slice %arg8[%add3A_157, %dma_start3A_158] : memref<125x80xi32, #tpu.memory_space<vmem>> -> memref<1x80xi32, #tpu.memory_space<vmem>>
          %dma_start3A_160 = tpu.memref_squeeze %dma_start3A_159 : memref<1x80xi32, #tpu.memory_space<vmem>> -> memref<80xi32, #tpu.memory_space<vmem>>
          %dma_start3A_161 = arith.constant 0 : i32
          %dma_start3A_162 = arith.constant 0 : i32
          %dma_start3A_163 = tpu.memref_slice %arg2[%dma_start3A_161, %dma_start3A_162] : memref<10000x128xi32, #tpu.memory_space<hbm>> -> memref<10000x128xi32, #tpu.memory_space<hbm>>
          tpu.enqueue_indirect_dma source(%dma_start3A_163 : memref<10000x128xi32, #tpu.memory_space<hbm>>) target(%arg11 : memref<80x128xi32, #tpu.memory_space<vmem>>) offsets(%dma_start3A_160 : memref<80xi32, #tpu.memory_space<vmem>>) semaphore(%arg17 : memref<!tpu.dma_semaphore, #tpu.memory_space<semaphore_mem>>)
          %dma_start3A_164 = arith.constant 0 : i32
          %dma_start3A_165 = tpu.memref_slice %arg9[%add3A_157, %dma_start3A_164] : memref<125x80xi32, #tpu.memory_space<vmem>> -> memref<1x80xi32, #tpu.memory_space<vmem>>
          %dma_start3A_166 = tpu.memref_squeeze %dma_start3A_165 : memref<1x80xi32, #tpu.memory_space<vmem>> -> memref<80xi32, #tpu.memory_space<vmem>>
          %dma_start3A_167 = arith.constant 0 : i32
          %dma_start3A_168 = arith.constant 0 : i32
          %dma_start3A_169 = tpu.memref_slice %arg3[%dma_start3A_167, %dma_start3A_168] : memref<10000x128xi32, #tpu.memory_space<hbm>> -> memref<10000x128xi32, #tpu.memory_space<hbm>>
          tpu.enqueue_indirect_dma source(%dma_start3A_169 : memref<10000x128xi32, #tpu.memory_space<hbm>>) target(%arg14 : memref<80x128xi32, #tpu.memory_space<vmem>>) offsets(%dma_start3A_166 : memref<80xi32, #tpu.memory_space<vmem>>) semaphore(%arg20 : memref<!tpu.dma_semaphore, #tpu.memory_space<semaphore_mem>>)
        } else {
        }
        %mul3A_140 = arith.constant 80 : i32
        %mul3A_141 = arith.muli %scan3A_66, %mul3A_140 : i32
        %add3A_142 = arith.addi %mul3A_2, %mul3A_141 : i32
        %multiple_of3A_143 = tpu.assume_multiple %add3A_142, 8 : i32
        %dma_start3A_144 = arith.constant 0 : i32
        %dma_start3A_145 = tpu.memref_slice %arg6[%multiple_of3A_143, %dma_start3A_144] : memref<320000x128xi32, #tpu.memory_space<hbm>> -> memref<80x128xi32, #tpu.memory_space<hbm>>
        %dma_start3A_146 = arith.constant 0 : i32
        %dma_start3A_147 = tpu.memref_slice %arg6[%multiple_of3A_143, %dma_start3A_146] : memref<320000x128xi32, #tpu.memory_space<hbm>> -> memref<80x128xi32, #tpu.memory_space<hbm>>
        tpu.enqueue_dma source(%arg12 : memref<80x128xi32, #tpu.memory_space<vmem>>) target(%dma_start3A_147 : memref<80x128xi32, #tpu.memory_space<hbm>>) target_semaphore(%arg24 : memref<!tpu.dma_semaphore, #tpu.memory_space<semaphore_mem>>)
        %dma_start3A_148 = arith.constant 0 : i32
        %dma_start3A_149 = tpu.memref_slice %arg7[%multiple_of3A_143, %dma_start3A_148] : memref<320000x128xi32, #tpu.memory_space<hbm>> -> memref<80x128xi32, #tpu.memory_space<hbm>>
        %dma_start3A_150 = arith.constant 0 : i32
        %dma_start3A_151 = tpu.memref_slice %arg7[%multiple_of3A_143, %dma_start3A_150] : memref<320000x128xi32, #tpu.memory_space<hbm>> -> memref<80x128xi32, #tpu.memory_space<hbm>>
        tpu.enqueue_dma source(%arg15 : memref<80x128xi32, #tpu.memory_space<vmem>>) target(%dma_start3A_151 : memref<80x128xi32, #tpu.memory_space<hbm>>) target_semaphore(%arg27 : memref<!tpu.dma_semaphore, #tpu.memory_space<semaphore_mem>>)
      } else {
      }
    }
    %scan3A_34 = arith.constant 125 : i32
    %add3A_35 = arith.constant 9760 : i32
    %add3A_36 = arith.addi %mul3A_2, %add3A_35 : i32
    %multiple_of3A = tpu.assume_multiple %add3A_36, 8 : i32
    %dma_wait3A = arith.constant 0 : i32
    %dma_wait3A_37 = tpu.memref_slice %arg6[%multiple_of3A, %dma_wait3A] : memref<320000x128xi32, #tpu.memory_space<hbm>> -> memref<80x128xi32, #tpu.memory_space<hbm>>
    %dma_wait3A_38 = arith.constant 0 : i32
    %dma_wait3A_39 = tpu.memref_slice %arg6[%multiple_of3A, %dma_wait3A_38] : memref<320000x128xi32, #tpu.memory_space<hbm>> -> memref<80x128xi32, #tpu.memory_space<hbm>>
    tpu.wait_dma2 semaphore(%arg24 : memref<!tpu.dma_semaphore, #tpu.memory_space<semaphore_mem>>) src(%arg12 : memref<80x128xi32, #tpu.memory_space<vmem>>) dst(%dma_wait3A_39 : memref<80x128xi32, #tpu.memory_space<hbm>>)
    %dma_wait3A_40 = arith.constant 0 : i32
    %dma_wait3A_41 = tpu.memref_slice %arg7[%multiple_of3A, %dma_wait3A_40] : memref<320000x128xi32, #tpu.memory_space<hbm>> -> memref<80x128xi32, #tpu.memory_space<hbm>>
    %dma_wait3A_42 = arith.constant 0 : i32
    %dma_wait3A_43 = tpu.memref_slice %arg7[%multiple_of3A, %dma_wait3A_42] : memref<320000x128xi32, #tpu.memory_space<hbm>> -> memref<80x128xi32, #tpu.memory_space<hbm>>
    tpu.wait_dma2 semaphore(%arg27 : memref<!tpu.dma_semaphore, #tpu.memory_space<semaphore_mem>>) src(%arg15 : memref<80x128xi32, #tpu.memory_space<vmem>>) dst(%dma_wait3A_43 : memref<80x128xi32, #tpu.memory_space<hbm>>)
    %add3A_44 = arith.constant 9840 : i32
    %add3A_45 = arith.addi %mul3A_2, %add3A_44 : i32
    %multiple_of3A_46 = tpu.assume_multiple %add3A_45, 8 : i32
    %dma_wait3A_47 = arith.constant 0 : i32
    %dma_wait3A_48 = tpu.memref_slice %arg6[%multiple_of3A_46, %dma_wait3A_47] : memref<320000x128xi32, #tpu.memory_space<hbm>> -> memref<80x128xi32, #tpu.memory_space<hbm>>
    %dma_wait3A_49 = arith.constant 0 : i32
    %dma_wait3A_50 = tpu.memref_slice %arg6[%multiple_of3A_46, %dma_wait3A_49] : memref<320000x128xi32, #tpu.memory_space<hbm>> -> memref<80x128xi32, #tpu.memory_space<hbm>>
    tpu.wait_dma2 semaphore(%arg22 : memref<!tpu.dma_semaphore, #tpu.memory_space<semaphore_mem>>) src(%arg10 : memref<80x128xi32, #tpu.memory_space<vmem>>) dst(%dma_wait3A_50 : memref<80x128xi32, #tpu.memory_space<hbm>>)
    %dma_wait3A_51 = arith.constant 0 : i32
    %dma_wait3A_52 = tpu.memref_slice %arg7[%multiple_of3A_46, %dma_wait3A_51] : memref<320000x128xi32, #tpu.memory_space<hbm>> -> memref<80x128xi32, #tpu.memory_space<hbm>>
    %dma_wait3A_53 = arith.constant 0 : i32
    %dma_wait3A_54 = tpu.memref_slice %arg7[%multiple_of3A_46, %dma_wait3A_53] : memref<320000x128xi32, #tpu.memory_space<hbm>> -> memref<80x128xi32, #tpu.memory_space<hbm>>
    tpu.wait_dma2 semaphore(%arg25 : memref<!tpu.dma_semaphore, #tpu.memory_space<semaphore_mem>>) src(%arg13 : memref<80x128xi32, #tpu.memory_space<vmem>>) dst(%dma_wait3A_54 : memref<80x128xi32, #tpu.memory_space<hbm>>)
    %add3A_55 = arith.constant 9920 : i32
    %add3A_56 = arith.addi %mul3A_2, %add3A_55 : i32
    %multiple_of3A_57 = tpu.assume_multiple %add3A_56, 8 : i32
    %dma_wait3A_58 = arith.constant 0 : i32
    %dma_wait3A_59 = tpu.memref_slice %arg6[%multiple_of3A_57, %dma_wait3A_58] : memref<320000x128xi32, #tpu.memory_space<hbm>> -> memref<80x128xi32, #tpu.memory_space<hbm>>
    %dma_wait3A_60 = arith.constant 0 : i32
    %dma_wait3A_61 = tpu.memref_slice %arg6[%multiple_of3A_57, %dma_wait3A_60] : memref<320000x128xi32, #tpu.memory_space<hbm>> -> memref<80x128xi32, #tpu.memory_space<hbm>>
    tpu.wait_dma2 semaphore(%arg23 : memref<!tpu.dma_semaphore, #tpu.memory_space<semaphore_mem>>) src(%arg11 : memref<80x128xi32, #tpu.memory_space<vmem>>) dst(%dma_wait3A_61 : memref<80x128xi32, #tpu.memory_space<hbm>>)
    %dma_wait3A_62 = arith.constant 0 : i32
    %dma_wait3A_63 = tpu.memref_slice %arg7[%multiple_of3A_57, %dma_wait3A_62] : memref<320000x128xi32, #tpu.memory_space<hbm>> -> memref<80x128xi32, #tpu.memory_space<hbm>>
    %dma_wait3A_64 = arith.constant 0 : i32
    %dma_wait3A_65 = tpu.memref_slice %arg7[%multiple_of3A_57, %dma_wait3A_64] : memref<320000x128xi32, #tpu.memory_space<hbm>> -> memref<80x128xi32, #tpu.memory_space<hbm>>
    tpu.wait_dma2 semaphore(%arg26 : memref<!tpu.dma_semaphore, #tpu.memory_space<semaphore_mem>>) src(%arg14 : memref<80x128xi32, #tpu.memory_space<vmem>>) dst(%dma_wait3A_65 : memref<80x128xi32, #tpu.memory_space<hbm>>)
    return
  }
}

#map = affine_map<(d0, d1) -> (0, 0)>
#map1 = affine_map<(d0, d1) -> (0, 0, 0)>
module attributes {stable_mosaic.version = 14 : i64} {
  func.func @_scatter_body(%arg0: i32, %arg1: i32, %arg2: memref<320000x128xf32, #tpu.memory_space<hbm>>, %arg3: memref<32x125x80xi32, #tpu.memory_space<hbm>>, %arg4: memref<20480x128xf32, #tpu.memory_space<hbm>>, %arg5: memref<125x80xi32, #tpu.memory_space<vmem>>, %arg6: memref<80x128xf32, #tpu.memory_space<vmem>>, %arg7: memref<80x128xf32, #tpu.memory_space<vmem>>, %arg8: memref<80x128xf32, #tpu.memory_space<vmem>>, %arg9: memref<10240x128xf32, #tpu.memory_space<vmem_shared>>, %arg10: memref<!tpu.dma_semaphore, #tpu.memory_space<semaphore_mem>>, %arg11: memref<!tpu.dma_semaphore, #tpu.memory_space<semaphore_mem>>, %arg12: memref<!tpu.dma_semaphore, #tpu.memory_space<semaphore_mem>>, %arg13: memref<!tpu.dma_semaphore, #tpu.memory_space<semaphore_mem>>, %arg14: memref<!tpu.dma_semaphore, #tpu.memory_space<semaphore_mem>>, %arg15: memref<!tpu.dma_semaphore, #tpu.memory_space<semaphore_mem>>) attributes {dimension_semantics = [#tpu.dimension_semantics<core_parallel>, #tpu.dimension_semantics<subcore_parallel>], iteration_bounds = array<i64: 2, 16>, scalar_prefetch = 0 : i64, scratch_operands = 11 : i64, tpu.core_type = #tpu.core_type<sc_vector_subcore>, window_params = [{transform_indices = #map}, {transform_indices = #map1}, {transform_indices = #map}]} {
    %mul3A = arith.constant 2 : i32
    %mul3A_0 = arith.muli %arg1, %mul3A : i32
    %add3A = arith.addi %mul3A_0, %arg0 : i32
    %mul3A_1 = arith.constant 10000 : i32
    %mul3A_2 = arith.muli %add3A, %mul3A_1 : i32
    "tpu.region"() ({
      %run_scoped3A = tpu.sem_alloc : memref<!tpu.dma_semaphore, #tpu.memory_space<semaphore_mem>>
      %dma_start3A_87 = arith.constant 0 : i32
      %dma_start3A_88 = arith.constant 0 : i32
      %dma_start3A_89 = tpu.memref_slice %arg3[%add3A, %dma_start3A_87, %dma_start3A_88] : memref<32x125x80xi32, #tpu.memory_space<hbm>> -> memref<1x125x80xi32, #tpu.memory_space<hbm>>
      %dma_start3A_90 = tpu.memref_squeeze %dma_start3A_89 : memref<1x125x80xi32, #tpu.memory_space<hbm>> -> memref<125x80xi32, #tpu.memory_space<hbm>>
      %dma_start3A_91 = arith.constant 0 : i32
      %dma_start3A_92 = arith.constant 0 : i32
      %dma_start3A_93 = tpu.memref_slice %arg3[%add3A, %dma_start3A_91, %dma_start3A_92] : memref<32x125x80xi32, #tpu.memory_space<hbm>> -> memref<1x125x80xi32, #tpu.memory_space<hbm>>
      %dma_start3A_94 = tpu.memref_squeeze %dma_start3A_93 : memref<1x125x80xi32, #tpu.memory_space<hbm>> -> memref<125x80xi32, #tpu.memory_space<hbm>>
      tpu.enqueue_dma source(%dma_start3A_94 : memref<125x80xi32, #tpu.memory_space<hbm>>) target(%arg5 : memref<125x80xi32, #tpu.memory_space<vmem>>) target_semaphore(%run_scoped3A : memref<!tpu.dma_semaphore, #tpu.memory_space<semaphore_mem>>)
      %dma_wait3A_95 = arith.constant 0 : i32
      %dma_wait3A_96 = arith.constant 0 : i32
      %dma_wait3A_97 = tpu.memref_slice %arg3[%add3A, %dma_wait3A_95, %dma_wait3A_96] : memref<32x125x80xi32, #tpu.memory_space<hbm>> -> memref<1x125x80xi32, #tpu.memory_space<hbm>>
      %dma_wait3A_98 = tpu.memref_squeeze %dma_wait3A_97 : memref<1x125x80xi32, #tpu.memory_space<hbm>> -> memref<125x80xi32, #tpu.memory_space<hbm>>
      %dma_wait3A_99 = arith.constant 0 : i32
      %dma_wait3A_100 = arith.constant 0 : i32
      %dma_wait3A_101 = tpu.memref_slice %arg3[%add3A, %dma_wait3A_99, %dma_wait3A_100] : memref<32x125x80xi32, #tpu.memory_space<hbm>> -> memref<1x125x80xi32, #tpu.memory_space<hbm>>
      %dma_wait3A_102 = tpu.memref_squeeze %dma_wait3A_101 : memref<1x125x80xi32, #tpu.memory_space<hbm>> -> memref<125x80xi32, #tpu.memory_space<hbm>>
      tpu.wait_dma2 semaphore(%run_scoped3A : memref<!tpu.dma_semaphore, #tpu.memory_space<semaphore_mem>>) src(%dma_wait3A_102 : memref<125x80xi32, #tpu.memory_space<hbm>>) dst(%arg5 : memref<125x80xi32, #tpu.memory_space<vmem>>)
      tpu.yield
    }) : () -> ()
    %broadcast_in_dim3A = arith.constant 0.000000e+00 : f32
    %broadcast_in_dim3A_3 = vector.broadcast %broadcast_in_dim3A : f32 to vector<16xf32>
    %scan3A = arith.constant 0 : i32
    %scan3A_4 = arith.constant 0 : i32
    %scan3A_5 = arith.constant 80 : i32
    %scan3A_6 = arith.addi %scan3A_4, %scan3A_5 : i32
    %scan3A_7 = arith.constant 1 : i32
    scf.for %scan3A_87 = %scan3A_4 to %scan3A_6 step %scan3A_7  : i32 {
      %swap3A = arith.index_cast %scan3A_87 : i32 to index
      %swap3A_88 = arith.constant 0 : index
      %swap3A_89 = tpu.vector_load %arg6[%swap3A, %swap3A_88] {strides = array<i32>} : memref<80x128xf32, #tpu.memory_space<vmem>>, vector<1x16xf32>,
      %swap3A_90 = vector.shape_cast %swap3A_89 : vector<1x16xf32> to vector<16xf32>
      %swap3A_91 = vector.shape_cast %broadcast_in_dim3A_3 : vector<16xf32> to vector<1x16xf32>
      tpu.vector_store %arg6[%swap3A, %swap3A_88], %swap3A_91 {strides = array<i32>} : memref<80x128xf32, #tpu.memory_space<vmem>>, vector<1x16xf32>,
      %swap3A_92 = arith.index_cast %scan3A_87 : i32 to index
      %swap3A_93 = arith.constant 16 : index
      %swap3A_94 = tpu.vector_load %arg6[%swap3A_92, %swap3A_93] {strides = array<i32>} : memref<80x128xf32, #tpu.memory_space<vmem>>, vector<1x16xf32>,
      %swap3A_95 = vector.shape_cast %swap3A_94 : vector<1x16xf32> to vector<16xf32>
      %swap3A_96 = vector.shape_cast %broadcast_in_dim3A_3 : vector<16xf32> to vector<1x16xf32>
      tpu.vector_store %arg6[%swap3A_92, %swap3A_93], %swap3A_96 {strides = array<i32>} : memref<80x128xf32, #tpu.memory_space<vmem>>, vector<1x16xf32>,
      %swap3A_97 = arith.index_cast %scan3A_87 : i32 to index
      %swap3A_98 = arith.constant 32 : index
      %swap3A_99 = tpu.vector_load %arg6[%swap3A_97, %swap3A_98] {strides = array<i32>} : memref<80x128xf32, #tpu.memory_space<vmem>>, vector<1x16xf32>,
      %swap3A_100 = vector.shape_cast %swap3A_99 : vector<1x16xf32> to vector<16xf32>
      %swap3A_101 = vector.shape_cast %broadcast_in_dim3A_3 : vector<16xf32> to vector<1x16xf32>
      tpu.vector_store %arg6[%swap3A_97, %swap3A_98], %swap3A_101 {strides = array<i32>} : memref<80x128xf32, #tpu.memory_space<vmem>>, vector<1x16xf32>,
      %swap3A_102 = arith.index_cast %scan3A_87 : i32 to index
      %swap3A_103 = arith.constant 48 : index
      %swap3A_104 = tpu.vector_load %arg6[%swap3A_102, %swap3A_103] {strides = array<i32>} : memref<80x128xf32, #tpu.memory_space<vmem>>, vector<1x16xf32>,
      %swap3A_105 = vector.shape_cast %swap3A_104 : vector<1x16xf32> to vector<16xf32>
      %swap3A_106 = vector.shape_cast %broadcast_in_dim3A_3 : vector<16xf32> to vector<1x16xf32>
      tpu.vector_store %arg6[%swap3A_102, %swap3A_103], %swap3A_106 {strides = array<i32>} : memref<80x128xf32, #tpu.memory_space<vmem>>, vector<1x16xf32>,
      %swap3A_107 = arith.index_cast %scan3A_87 : i32 to index
      %swap3A_108 = arith.constant 64 : index
      %swap3A_109 = tpu.vector_load %arg6[%swap3A_107, %swap3A_108] {strides = array<i32>} : memref<80x128xf32, #tpu.memory_space<vmem>>, vector<1x16xf32>,
      %swap3A_110 = vector.shape_cast %swap3A_109 : vector<1x16xf32> to vector<16xf32>
      %swap3A_111 = vector.shape_cast %broadcast_in_dim3A_3 : vector<16xf32> to vector<1x16xf32>
      tpu.vector_store %arg6[%swap3A_107, %swap3A_108], %swap3A_111 {strides = array<i32>} : memref<80x128xf32, #tpu.memory_space<vmem>>, vector<1x16xf32>,
      %swap3A_112 = arith.index_cast %scan3A_87 : i32 to index
      %swap3A_113 = arith.constant 80 : index
      %swap3A_114 = tpu.vector_load %arg6[%swap3A_112, %swap3A_113] {strides = array<i32>} : memref<80x128xf32, #tpu.memory_space<vmem>>, vector<1x16xf32>,
      %swap3A_115 = vector.shape_cast %swap3A_114 : vector<1x16xf32> to vector<16xf32>
      %swap3A_116 = vector.shape_cast %broadcast_in_dim3A_3 : vector<16xf32> to vector<1x16xf32>
      tpu.vector_store %arg6[%swap3A_112, %swap3A_113], %swap3A_116 {strides = array<i32>} : memref<80x128xf32, #tpu.memory_space<vmem>>, vector<1x16xf32>,
      %swap3A_117 = arith.index_cast %scan3A_87 : i32 to index
      %swap3A_118 = arith.constant 96 : index
      %swap3A_119 = tpu.vector_load %arg6[%swap3A_117, %swap3A_118] {strides = array<i32>} : memref<80x128xf32, #tpu.memory_space<vmem>>, vector<1x16xf32>,
      %swap3A_120 = vector.shape_cast %swap3A_119 : vector<1x16xf32> to vector<16xf32>
      %swap3A_121 = vector.shape_cast %broadcast_in_dim3A_3 : vector<16xf32> to vector<1x16xf32>
      tpu.vector_store %arg6[%swap3A_117, %swap3A_118], %swap3A_121 {strides = array<i32>} : memref<80x128xf32, #tpu.memory_space<vmem>>, vector<1x16xf32>,
      %swap3A_122 = arith.index_cast %scan3A_87 : i32 to index
      %swap3A_123 = arith.constant 112 : index
      %swap3A_124 = tpu.vector_load %arg6[%swap3A_122, %swap3A_123] {strides = array<i32>} : memref<80x128xf32, #tpu.memory_space<vmem>>, vector<1x16xf32>,
      %swap3A_125 = vector.shape_cast %swap3A_124 : vector<1x16xf32> to vector<16xf32>
      %swap3A_126 = vector.shape_cast %broadcast_in_dim3A_3 : vector<16xf32> to vector<1x16xf32>
      tpu.vector_store %arg6[%swap3A_122, %swap3A_123], %swap3A_126 {strides = array<i32>} : memref<80x128xf32, #tpu.memory_space<vmem>>, vector<1x16xf32>,
    }
    %scan3A_8 = arith.constant 80 : i32
    %mul3A_9 = arith.constant 640 : i32
    %mul3A_10 = arith.muli %arg1, %mul3A_9 : i32
    %add3A_11 = arith.constant 0 : i32
    %add3A_12 = arith.addi %mul3A_10, %add3A_11 : i32
    "tpu.region"() ({
      %run_scoped3A = tpu.sem_alloc : memref<!tpu.dma_semaphore, #tpu.memory_space<semaphore_mem>>
      %dma_start3A_87 = arith.constant 0 : i32
      %dma_start3A_88 = tpu.memref_slice %arg9[%add3A_12, %dma_start3A_87] : memref<10240x128xf32, #tpu.memory_space<vmem_shared>> -> memref<80x128xf32, #tpu.memory_space<vmem_shared>>
      %dma_start3A_89 = arith.constant 0 : i32
      %dma_start3A_90 = tpu.memref_slice %arg9[%add3A_12, %dma_start3A_89] : memref<10240x128xf32, #tpu.memory_space<vmem_shared>> -> memref<80x128xf32, #tpu.memory_space<vmem_shared>>
      tpu.enqueue_dma source(%arg6 : memref<80x128xf32, #tpu.memory_space<vmem>>) target(%dma_start3A_90 : memref<80x128xf32, #tpu.memory_space<vmem_shared>>) target_semaphore(%run_scoped3A : memref<!tpu.dma_semaphore, #tpu.memory_space<semaphore_mem>>)
      %dma_wait3A_91 = arith.constant 0 : i32
      %dma_wait3A_92 = tpu.memref_slice %arg9[%add3A_12, %dma_wait3A_91] : memref<10240x128xf32, #tpu.memory_space<vmem_shared>> -> memref<80x128xf32, #tpu.memory_space<vmem_shared>>
      %dma_wait3A_93 = arith.constant 0 : i32
      %dma_wait3A_94 = tpu.memref_slice %arg9[%add3A_12, %dma_wait3A_93] : memref<10240x128xf32, #tpu.memory_space<vmem_shared>> -> memref<80x128xf32, #tpu.memory_space<vmem_shared>>
      tpu.wait_dma2 semaphore(%run_scoped3A : memref<!tpu.dma_semaphore, #tpu.memory_space<semaphore_mem>>) src(%arg6 : memref<80x128xf32, #tpu.memory_space<vmem>>) dst(%dma_wait3A_94 : memref<80x128xf32, #tpu.memory_space<vmem_shared>>)
      tpu.yield
    }) : () -> ()
    %mul3A_13 = arith.constant 640 : i32
    %mul3A_14 = arith.muli %arg1, %mul3A_13 : i32
    %add3A_15 = arith.constant 80 : i32
    %add3A_16 = arith.addi %mul3A_14, %add3A_15 : i32
    "tpu.region"() ({
      %run_scoped3A = tpu.sem_alloc : memref<!tpu.dma_semaphore, #tpu.memory_space<semaphore_mem>>
      %dma_start3A_87 = arith.constant 0 : i32
      %dma_start3A_88 = tpu.memref_slice %arg9[%add3A_16, %dma_start3A_87] : memref<10240x128xf32, #tpu.memory_space<vmem_shared>> -> memref<80x128xf32, #tpu.memory_space<vmem_shared>>
      %dma_start3A_89 = arith.constant 0 : i32
      %dma_start3A_90 = tpu.memref_slice %arg9[%add3A_16, %dma_start3A_89] : memref<10240x128xf32, #tpu.memory_space<vmem_shared>> -> memref<80x128xf32, #tpu.memory_space<vmem_shared>>
      tpu.enqueue_dma source(%arg6 : memref<80x128xf32, #tpu.memory_space<vmem>>) target(%dma_start3A_90 : memref<80x128xf32, #tpu.memory_space<vmem_shared>>) target_semaphore(%run_scoped3A : memref<!tpu.dma_semaphore, #tpu.memory_space<semaphore_mem>>)
      %dma_wait3A_91 = arith.constant 0 : i32
      %dma_wait3A_92 = tpu.memref_slice %arg9[%add3A_16, %dma_wait3A_91] : memref<10240x128xf32, #tpu.memory_space<vmem_shared>> -> memref<80x128xf32, #tpu.memory_space<vmem_shared>>
      %dma_wait3A_93 = arith.constant 0 : i32
      %dma_wait3A_94 = tpu.memref_slice %arg9[%add3A_16, %dma_wait3A_93] : memref<10240x128xf32, #tpu.memory_space<vmem_shared>> -> memref<80x128xf32, #tpu.memory_space<vmem_shared>>
      tpu.wait_dma2 semaphore(%run_scoped3A : memref<!tpu.dma_semaphore, #tpu.memory_space<semaphore_mem>>) src(%arg6 : memref<80x128xf32, #tpu.memory_space<vmem>>) dst(%dma_wait3A_94 : memref<80x128xf32, #tpu.memory_space<vmem_shared>>)
      tpu.yield
    }) : () -> ()
    %mul3A_17 = arith.constant 640 : i32
    %mul3A_18 = arith.muli %arg1, %mul3A_17 : i32
    %add3A_19 = arith.constant 160 : i32
    %add3A_20 = arith.addi %mul3A_18, %add3A_19 : i32
    "tpu.region"() ({
      %run_scoped3A = tpu.sem_alloc : memref<!tpu.dma_semaphore, #tpu.memory_space<semaphore_mem>>
      %dma_start3A_87 = arith.constant 0 : i32
      %dma_start3A_88 = tpu.memref_slice %arg9[%add3A_20, %dma_start3A_87] : memref<10240x128xf32, #tpu.memory_space<vmem_shared>> -> memref<80x128xf32, #tpu.memory_space<vmem_shared>>
      %dma_start3A_89 = arith.constant 0 : i32
      %dma_start3A_90 = tpu.memref_slice %arg9[%add3A_20, %dma_start3A_89] : memref<10240x128xf32, #tpu.memory_space<vmem_shared>> -> memref<80x128xf32, #tpu.memory_space<vmem_shared>>
      tpu.enqueue_dma source(%arg6 : memref<80x128xf32, #tpu.memory_space<vmem>>) target(%dma_start3A_90 : memref<80x128xf32, #tpu.memory_space<vmem_shared>>) target_semaphore(%run_scoped3A : memref<!tpu.dma_semaphore, #tpu.memory_space<semaphore_mem>>)
      %dma_wait3A_91 = arith.constant 0 : i32
      %dma_wait3A_92 = tpu.memref_slice %arg9[%add3A_20, %dma_wait3A_91] : memref<10240x128xf32, #tpu.memory_space<vmem_shared>> -> memref<80x128xf32, #tpu.memory_space<vmem_shared>>
      %dma_wait3A_93 = arith.constant 0 : i32
      %dma_wait3A_94 = tpu.memref_slice %arg9[%add3A_20, %dma_wait3A_93] : memref<10240x128xf32, #tpu.memory_space<vmem_shared>> -> memref<80x128xf32, #tpu.memory_space<vmem_shared>>
      tpu.wait_dma2 semaphore(%run_scoped3A : memref<!tpu.dma_semaphore, #tpu.memory_space<semaphore_mem>>) src(%arg6 : memref<80x128xf32, #tpu.memory_space<vmem>>) dst(%dma_wait3A_94 : memref<80x128xf32, #tpu.memory_space<vmem_shared>>)
      tpu.yield
    }) : () -> ()
    %mul3A_21 = arith.constant 640 : i32
    %mul3A_22 = arith.muli %arg1, %mul3A_21 : i32
    %add3A_23 = arith.constant 240 : i32
    %add3A_24 = arith.addi %mul3A_22, %add3A_23 : i32
    "tpu.region"() ({
      %run_scoped3A = tpu.sem_alloc : memref<!tpu.dma_semaphore, #tpu.memory_space<semaphore_mem>>
      %dma_start3A_87 = arith.constant 0 : i32
      %dma_start3A_88 = tpu.memref_slice %arg9[%add3A_24, %dma_start3A_87] : memref<10240x128xf32, #tpu.memory_space<vmem_shared>> -> memref<80x128xf32, #tpu.memory_space<vmem_shared>>
      %dma_start3A_89 = arith.constant 0 : i32
      %dma_start3A_90 = tpu.memref_slice %arg9[%add3A_24, %dma_start3A_89] : memref<10240x128xf32, #tpu.memory_space<vmem_shared>> -> memref<80x128xf32, #tpu.memory_space<vmem_shared>>
      tpu.enqueue_dma source(%arg6 : memref<80x128xf32, #tpu.memory_space<vmem>>) target(%dma_start3A_90 : memref<80x128xf32, #tpu.memory_space<vmem_shared>>) target_semaphore(%run_scoped3A : memref<!tpu.dma_semaphore, #tpu.memory_space<semaphore_mem>>)
      %dma_wait3A_91 = arith.constant 0 : i32
      %dma_wait3A_92 = tpu.memref_slice %arg9[%add3A_24, %dma_wait3A_91] : memref<10240x128xf32, #tpu.memory_space<vmem_shared>> -> memref<80x128xf32, #tpu.memory_space<vmem_shared>>
      %dma_wait3A_93 = arith.constant 0 : i32
      %dma_wait3A_94 = tpu.memref_slice %arg9[%add3A_24, %dma_wait3A_93] : memref<10240x128xf32, #tpu.memory_space<vmem_shared>> -> memref<80x128xf32, #tpu.memory_space<vmem_shared>>
      tpu.wait_dma2 semaphore(%run_scoped3A : memref<!tpu.dma_semaphore, #tpu.memory_space<semaphore_mem>>) src(%arg6 : memref<80x128xf32, #tpu.memory_space<vmem>>) dst(%dma_wait3A_94 : memref<80x128xf32, #tpu.memory_space<vmem_shared>>)
      tpu.yield
    }) : () -> ()
    %mul3A_25 = arith.constant 640 : i32
    %mul3A_26 = arith.muli %arg1, %mul3A_25 : i32
    %add3A_27 = arith.constant 320 : i32
    %add3A_28 = arith.addi %mul3A_26, %add3A_27 : i32
    "tpu.region"() ({
      %run_scoped3A = tpu.sem_alloc : memref<!tpu.dma_semaphore, #tpu.memory_space<semaphore_mem>>
      %dma_start3A_87 = arith.constant 0 : i32
      %dma_start3A_88 = tpu.memref_slice %arg9[%add3A_28, %dma_start3A_87] : memref<10240x128xf32, #tpu.memory_space<vmem_shared>> -> memref<80x128xf32, #tpu.memory_space<vmem_shared>>
      %dma_start3A_89 = arith.constant 0 : i32
      %dma_start3A_90 = tpu.memref_slice %arg9[%add3A_28, %dma_start3A_89] : memref<10240x128xf32, #tpu.memory_space<vmem_shared>> -> memref<80x128xf32, #tpu.memory_space<vmem_shared>>
      tpu.enqueue_dma source(%arg6 : memref<80x128xf32, #tpu.memory_space<vmem>>) target(%dma_start3A_90 : memref<80x128xf32, #tpu.memory_space<vmem_shared>>) target_semaphore(%run_scoped3A : memref<!tpu.dma_semaphore, #tpu.memory_space<semaphore_mem>>)
      %dma_wait3A_91 = arith.constant 0 : i32
      %dma_wait3A_92 = tpu.memref_slice %arg9[%add3A_28, %dma_wait3A_91] : memref<10240x128xf32, #tpu.memory_space<vmem_shared>> -> memref<80x128xf32, #tpu.memory_space<vmem_shared>>
      %dma_wait3A_93 = arith.constant 0 : i32
      %dma_wait3A_94 = tpu.memref_slice %arg9[%add3A_28, %dma_wait3A_93] : memref<10240x128xf32, #tpu.memory_space<vmem_shared>> -> memref<80x128xf32, #tpu.memory_space<vmem_shared>>
      tpu.wait_dma2 semaphore(%run_scoped3A : memref<!tpu.dma_semaphore, #tpu.memory_space<semaphore_mem>>) src(%arg6 : memref<80x128xf32, #tpu.memory_space<vmem>>) dst(%dma_wait3A_94 : memref<80x128xf32, #tpu.memory_space<vmem_shared>>)
      tpu.yield
    }) : () -> ()
    %mul3A_29 = arith.constant 640 : i32
    %mul3A_30 = arith.muli %arg1, %mul3A_29 : i32
    %add3A_31 = arith.constant 400 : i32
    %add3A_32 = arith.addi %mul3A_30, %add3A_31 : i32
    "tpu.region"() ({
      %run_scoped3A = tpu.sem_alloc : memref<!tpu.dma_semaphore, #tpu.memory_space<semaphore_mem>>
      %dma_start3A_87 = arith.constant 0 : i32
      %dma_start3A_88 = tpu.memref_slice %arg9[%add3A_32, %dma_start3A_87] : memref<10240x128xf32, #tpu.memory_space<vmem_shared>> -> memref<80x128xf32, #tpu.memory_space<vmem_shared>>
      %dma_start3A_89 = arith.constant 0 : i32
      %dma_start3A_90 = tpu.memref_slice %arg9[%add3A_32, %dma_start3A_89] : memref<10240x128xf32, #tpu.memory_space<vmem_shared>> -> memref<80x128xf32, #tpu.memory_space<vmem_shared>>
      tpu.enqueue_dma source(%arg6 : memref<80x128xf32, #tpu.memory_space<vmem>>) target(%dma_start3A_90 : memref<80x128xf32, #tpu.memory_space<vmem_shared>>) target_semaphore(%run_scoped3A : memref<!tpu.dma_semaphore, #tpu.memory_space<semaphore_mem>>)
      %dma_wait3A_91 = arith.constant 0 : i32
      %dma_wait3A_92 = tpu.memref_slice %arg9[%add3A_32, %dma_wait3A_91] : memref<10240x128xf32, #tpu.memory_space<vmem_shared>> -> memref<80x128xf32, #tpu.memory_space<vmem_shared>>
      %dma_wait3A_93 = arith.constant 0 : i32
      %dma_wait3A_94 = tpu.memref_slice %arg9[%add3A_32, %dma_wait3A_93] : memref<10240x128xf32, #tpu.memory_space<vmem_shared>> -> memref<80x128xf32, #tpu.memory_space<vmem_shared>>
      tpu.wait_dma2 semaphore(%run_scoped3A : memref<!tpu.dma_semaphore, #tpu.memory_space<semaphore_mem>>) src(%arg6 : memref<80x128xf32, #tpu.memory_space<vmem>>) dst(%dma_wait3A_94 : memref<80x128xf32, #tpu.memory_space<vmem_shared>>)
      tpu.yield
    }) : () -> ()
    %mul3A_33 = arith.constant 640 : i32
    %mul3A_34 = arith.muli %arg1, %mul3A_33 : i32
    %add3A_35 = arith.constant 480 : i32
    %add3A_36 = arith.addi %mul3A_34, %add3A_35 : i32
    "tpu.region"() ({
      %run_scoped3A = tpu.sem_alloc : memref<!tpu.dma_semaphore, #tpu.memory_space<semaphore_mem>>
      %dma_start3A_87 = arith.constant 0 : i32
      %dma_start3A_88 = tpu.memref_slice %arg9[%add3A_36, %dma_start3A_87] : memref<10240x128xf32, #tpu.memory_space<vmem_shared>> -> memref<80x128xf32, #tpu.memory_space<vmem_shared>>
      %dma_start3A_89 = arith.constant 0 : i32
      %dma_start3A_90 = tpu.memref_slice %arg9[%add3A_36, %dma_start3A_89] : memref<10240x128xf32, #tpu.memory_space<vmem_shared>> -> memref<80x128xf32, #tpu.memory_space<vmem_shared>>
      tpu.enqueue_dma source(%arg6 : memref<80x128xf32, #tpu.memory_space<vmem>>) target(%dma_start3A_90 : memref<80x128xf32, #tpu.memory_space<vmem_shared>>) target_semaphore(%run_scoped3A : memref<!tpu.dma_semaphore, #tpu.memory_space<semaphore_mem>>)
      %dma_wait3A_91 = arith.constant 0 : i32
      %dma_wait3A_92 = tpu.memref_slice %arg9[%add3A_36, %dma_wait3A_91] : memref<10240x128xf32, #tpu.memory_space<vmem_shared>> -> memref<80x128xf32, #tpu.memory_space<vmem_shared>>
      %dma_wait3A_93 = arith.constant 0 : i32
      %dma_wait3A_94 = tpu.memref_slice %arg9[%add3A_36, %dma_wait3A_93] : memref<10240x128xf32, #tpu.memory_space<vmem_shared>> -> memref<80x128xf32, #tpu.memory_space<vmem_shared>>
      tpu.wait_dma2 semaphore(%run_scoped3A : memref<!tpu.dma_semaphore, #tpu.memory_space<semaphore_mem>>) src(%arg6 : memref<80x128xf32, #tpu.memory_space<vmem>>) dst(%dma_wait3A_94 : memref<80x128xf32, #tpu.memory_space<vmem_shared>>)
      tpu.yield
    }) : () -> ()
    %mul3A_37 = arith.constant 640 : i32
    %mul3A_38 = arith.muli %arg1, %mul3A_37 : i32
    %add3A_39 = arith.constant 560 : i32
    %add3A_40 = arith.addi %mul3A_38, %add3A_39 : i32
    "tpu.region"() ({
      %run_scoped3A = tpu.sem_alloc : memref<!tpu.dma_semaphore, #tpu.memory_space<semaphore_mem>>
      %dma_start3A_87 = arith.constant 0 : i32
      %dma_start3A_88 = tpu.memref_slice %arg9[%add3A_40, %dma_start3A_87] : memref<10240x128xf32, #tpu.memory_space<vmem_shared>> -> memref<80x128xf32, #tpu.memory_space<vmem_shared>>
      %dma_start3A_89 = arith.constant 0 : i32
      %dma_start3A_90 = tpu.memref_slice %arg9[%add3A_40, %dma_start3A_89] : memref<10240x128xf32, #tpu.memory_space<vmem_shared>> -> memref<80x128xf32, #tpu.memory_space<vmem_shared>>
      tpu.enqueue_dma source(%arg6 : memref<80x128xf32, #tpu.memory_space<vmem>>) target(%dma_start3A_90 : memref<80x128xf32, #tpu.memory_space<vmem_shared>>) target_semaphore(%run_scoped3A : memref<!tpu.dma_semaphore, #tpu.memory_space<semaphore_mem>>)
      %dma_wait3A_91 = arith.constant 0 : i32
      %dma_wait3A_92 = tpu.memref_slice %arg9[%add3A_40, %dma_wait3A_91] : memref<10240x128xf32, #tpu.memory_space<vmem_shared>> -> memref<80x128xf32, #tpu.memory_space<vmem_shared>>
      %dma_wait3A_93 = arith.constant 0 : i32
      %dma_wait3A_94 = tpu.memref_slice %arg9[%add3A_40, %dma_wait3A_93] : memref<10240x128xf32, #tpu.memory_space<vmem_shared>> -> memref<80x128xf32, #tpu.memory_space<vmem_shared>>
      tpu.wait_dma2 semaphore(%run_scoped3A : memref<!tpu.dma_semaphore, #tpu.memory_space<semaphore_mem>>) src(%arg6 : memref<80x128xf32, #tpu.memory_space<vmem>>) dst(%dma_wait3A_94 : memref<80x128xf32, #tpu.memory_space<vmem_shared>>)
      tpu.yield
    }) : () -> ()
    %barrier3A = arith.constant 0 : index
    tpu.barrier barrier_id(%barrier3A)
    %add3A_41 = arith.constant 0 : i32
    %add3A_42 = arith.addi %mul3A_2, %add3A_41 : i32
    %multiple_of3A = tpu.assume_multiple %add3A_42, 8 : i32
    %dma_start3A = arith.constant 0 : i32
    %dma_start3A_43 = tpu.memref_slice %arg2[%multiple_of3A, %dma_start3A] : memref<320000x128xf32, #tpu.memory_space<hbm>> -> memref<80x128xf32, #tpu.memory_space<hbm>>
    %dma_start3A_44 = arith.constant 0 : i32
    %dma_start3A_45 = tpu.memref_slice %arg2[%multiple_of3A, %dma_start3A_44] : memref<320000x128xf32, #tpu.memory_space<hbm>> -> memref<80x128xf32, #tpu.memory_space<hbm>>
    tpu.enqueue_dma source(%dma_start3A_45 : memref<80x128xf32, #tpu.memory_space<hbm>>) target(%arg6 : memref<80x128xf32, #tpu.memory_space<vmem>>) target_semaphore(%arg10 : memref<!tpu.dma_semaphore, #tpu.memory_space<semaphore_mem>>)
    %add3A_46 = arith.constant 80 : i32
    %add3A_47 = arith.addi %mul3A_2, %add3A_46 : i32
    %multiple_of3A_48 = tpu.assume_multiple %add3A_47, 8 : i32
    %dma_start3A_49 = arith.constant 0 : i32
    %dma_start3A_50 = tpu.memref_slice %arg2[%multiple_of3A_48, %dma_start3A_49] : memref<320000x128xf32, #tpu.memory_space<hbm>> -> memref<80x128xf32, #tpu.memory_space<hbm>>
    %dma_start3A_51 = arith.constant 0 : i32
    %dma_start3A_52 = tpu.memref_slice %arg2[%multiple_of3A_48, %dma_start3A_51] : memref<320000x128xf32, #tpu.memory_space<hbm>> -> memref<80x128xf32, #tpu.memory_space<hbm>>
    tpu.enqueue_dma source(%dma_start3A_52 : memref<80x128xf32, #tpu.memory_space<hbm>>) target(%arg7 : memref<80x128xf32, #tpu.memory_space<vmem>>) target_semaphore(%arg11 : memref<!tpu.dma_semaphore, #tpu.memory_space<semaphore_mem>>)
    %scan3A_53 = arith.constant 0 : i32
    %scan3A_54 = arith.constant 0 : i32
    %scan3A_55 = arith.constant 125 : i32
    %scan3A_56 = arith.addi %scan3A_54, %scan3A_55 : i32
    %scan3A_57 = arith.constant 1 : i32
    scf.for %scan3A_87 = %scan3A_54 to %scan3A_56 step %scan3A_57  : i32 {
      %jit3A = arith.constant 3 : i32
      %eq3A = arith.constant 0 : i32
      %eq3A_88 = arith.cmpi eq, %jit3A, %eq3A : i32
      %jit3A_89 = arith.constant 1 : i32
      %select_n3A = arith.select %eq3A_88, %jit3A_89, %jit3A : i32
      %rem3A = arith.remsi %scan3A_87, %select_n3A : i32
      %ne3A = arith.constant 0 : i32
      %ne3A_90 = arith.cmpi ne, %rem3A, %ne3A : i32
      %lt3A = arith.constant 0 : i32
      %lt3A_91 = arith.cmpi slt, %rem3A, %lt3A : i32
      %lt3A_92 = arith.constant 0 : i32
      %lt3A_93 = arith.cmpi slt, %select_n3A, %lt3A_92 : i32
      %ne3A_94 = arith.xori %lt3A_91, %lt3A_93 : i1
      %and3A = arith.andi %ne3A_94, %ne3A_90 : i1
      %add3A_95 = arith.addi %rem3A, %select_n3A : i32
      %select_n3A_96 = arith.select %and3A, %add3A_95, %rem3A : i32
      %eq3A_97 = arith.constant 0 : i32
      %eq3A_98 = arith.cmpi eq, %select_n3A_96, %eq3A_97 : i32
      %convert_element_type3A = arith.extui %eq3A_98 : i1 to i32
      %cond3A = arith.constant 0 : i32
      %cond3A_99 = arith.cmpi ne, %convert_element_type3A, %cond3A : i32
      scf.if %cond3A_99 {
        %mul3A_142 = arith.constant 80 : i32
        %mul3A_143 = arith.muli %scan3A_87, %mul3A_142 : i32
        %add3A_144 = arith.addi %mul3A_2, %mul3A_143 : i32
        %multiple_of3A_145 = tpu.assume_multiple %add3A_144, 8 : i32
        %dma_wait3A_146 = arith.constant 0 : i32
        %dma_wait3A_147 = tpu.memref_slice %arg2[%multiple_of3A_145, %dma_wait3A_146] : memref<320000x128xf32, #tpu.memory_space<hbm>> -> memref<80x128xf32, #tpu.memory_space<hbm>>
        %dma_wait3A_148 = arith.constant 0 : i32
        %dma_wait3A_149 = tpu.memref_slice %arg2[%multiple_of3A_145, %dma_wait3A_148] : memref<320000x128xf32, #tpu.memory_space<hbm>> -> memref<80x128xf32, #tpu.memory_space<hbm>>
        tpu.wait_dma2 semaphore(%arg10 : memref<!tpu.dma_semaphore, #tpu.memory_space<semaphore_mem>>) src(%dma_wait3A_149 : memref<80x128xf32, #tpu.memory_space<hbm>>) dst(%arg6 : memref<80x128xf32, #tpu.memory_space<vmem>>)
        %add3A_150 = arith.constant 2 : i32
        %add3A_151 = arith.addi %scan3A_87, %add3A_150 : i32
        %lt3A_152 = arith.constant 125 : i32
        %lt3A_153 = arith.cmpi slt, %add3A_151, %lt3A_152 : i32
        %convert_element_type3A_154 = arith.extui %lt3A_153 : i1 to i32
        %cond3A_155 = arith.constant 0 : i32
        %cond3A_156 = arith.cmpi ne, %convert_element_type3A_154, %cond3A_155 : i32
        scf.if %cond3A_156 {
          %ge3A = arith.constant 1 : i32
          %ge3A_163 = arith.cmpi sge, %scan3A_87, %ge3A : i32
          %convert_element_type3A_164 = arith.extui %ge3A_163 : i1 to i32
          %cond3A_165 = arith.constant 0 : i32
          %cond3A_166 = arith.cmpi ne, %convert_element_type3A_164, %cond3A_165 : i32
          scf.if %cond3A_166 {
            %sub3A = arith.constant 1 : i32
            %sub3A_177 = arith.subi %scan3A_87, %sub3A : i32
            %dma_wait3A_178 = arith.constant 0 : i32
            %dma_wait3A_179 = tpu.memref_slice %arg5[%sub3A_177, %dma_wait3A_178] : memref<125x80xi32, #tpu.memory_space<vmem>> -> memref<1x80xi32, #tpu.memory_space<vmem>>
            %dma_wait3A_180 = tpu.memref_squeeze %dma_wait3A_179 : memref<1x80xi32, #tpu.memory_space<vmem>> -> memref<80xi32, #tpu.memory_space<vmem>>
            %dma_wait3A_181 = arith.constant 0 : i32
            %dma_wait3A_182 = arith.constant 0 : i32
            %dma_wait3A_183 = tpu.memref_slice %arg9[%dma_wait3A_181, %dma_wait3A_182] : memref<10240x128xf32, #tpu.memory_space<vmem_shared>> -> memref<10240x128xf32, #tpu.memory_space<vmem_shared>>
            tpu.wait_indirect_dma semaphore(%arg15 : memref<!tpu.dma_semaphore, #tpu.memory_space<semaphore_mem>>) src(%arg8 : memref<80x128xf32, #tpu.memory_space<vmem>>) dst(%dma_wait3A_183 : memref<10240x128xf32, #tpu.memory_space<vmem_shared>>)
          } else {
          }
          %add3A_167 = arith.constant 2 : i32
          %add3A_168 = arith.addi %scan3A_87, %add3A_167 : i32
          %mul3A_169 = arith.constant 80 : i32
          %mul3A_170 = arith.muli %add3A_168, %mul3A_169 : i32
          %add3A_171 = arith.addi %mul3A_2, %mul3A_170 : i32
          %multiple_of3A_172 = tpu.assume_multiple %add3A_171, 8 : i32
          %dma_start3A_173 = arith.constant 0 : i32
          %dma_start3A_174 = tpu.memref_slice %arg2[%multiple_of3A_172, %dma_start3A_173] : memref<320000x128xf32, #tpu.memory_space<hbm>> -> memref<80x128xf32, #tpu.memory_space<hbm>>
          %dma_start3A_175 = arith.constant 0 : i32
          %dma_start3A_176 = tpu.memref_slice %arg2[%multiple_of3A_172, %dma_start3A_175] : memref<320000x128xf32, #tpu.memory_space<hbm>> -> memref<80x128xf32, #tpu.memory_space<hbm>>
          tpu.enqueue_dma source(%dma_start3A_176 : memref<80x128xf32, #tpu.memory_space<hbm>>) target(%arg8 : memref<80x128xf32, #tpu.memory_space<vmem>>) target_semaphore(%arg12 : memref<!tpu.dma_semaphore, #tpu.memory_space<semaphore_mem>>)
        } else {
        }
        %dma_start3A_157 = arith.constant 0 : i32
        %dma_start3A_158 = tpu.memref_slice %arg5[%scan3A_87, %dma_start3A_157] : memref<125x80xi32, #tpu.memory_space<vmem>> -> memref<1x80xi32, #tpu.memory_space<vmem>>
        %dma_start3A_159 = tpu.memref_squeeze %dma_start3A_158 : memref<1x80xi32, #tpu.memory_space<vmem>> -> memref<80xi32, #tpu.memory_space<vmem>>
        %dma_start3A_160 = arith.constant 0 : i32
        %dma_start3A_161 = arith.constant 0 : i32
        %dma_start3A_162 = tpu.memref_slice %arg9[%dma_start3A_160, %dma_start3A_161] : memref<10240x128xf32, #tpu.memory_space<vmem_shared>> -> memref<10240x128xf32, #tpu.memory_space<vmem_shared>>
        tpu.enqueue_indirect_dma source(%arg6 : memref<80x128xf32, #tpu.memory_space<vmem>>) target(%dma_start3A_162 : memref<10240x128xf32, #tpu.memory_space<vmem_shared>>) offsets(%dma_start3A_159 : memref<80xi32, #tpu.memory_space<vmem>>) semaphore(%arg13 : memref<!tpu.dma_semaphore, #tpu.memory_space<semaphore_mem>>) {add = true}
      } else {
      }
      %jit3A_100 = arith.constant 3 : i32
      %eq3A_101 = arith.constant 0 : i32
      %eq3A_102 = arith.cmpi eq, %jit3A_100, %eq3A_101 : i32
      %jit3A_103 = arith.constant 1 : i32
      %select_n3A_104 = arith.select %eq3A_102, %jit3A_103, %jit3A_100 : i32
      %rem3A_105 = arith.remsi %scan3A_87, %select_n3A_104 : i32
      %ne3A_106 = arith.constant 0 : i32
      %ne3A_107 = arith.cmpi ne, %rem3A_105, %ne3A_106 : i32
      %lt3A_108 = arith.constant 0 : i32
      %lt3A_109 = arith.cmpi slt, %rem3A_105, %lt3A_108 : i32
      %lt3A_110 = arith.constant 0 : i32
      %lt3A_111 = arith.cmpi slt, %select_n3A_104, %lt3A_110 : i32
      %ne3A_112 = arith.xori %lt3A_109, %lt3A_111 : i1
      %and3A_113 = arith.andi %ne3A_112, %ne3A_107 : i1
      %add3A_114 = arith.addi %rem3A_105, %select_n3A_104 : i32
      %select_n3A_115 = arith.select %and3A_113, %add3A_114, %rem3A_105 : i32
      %eq3A_116 = arith.constant 1 : i32
      %eq3A_117 = arith.cmpi eq, %select_n3A_115, %eq3A_116 : i32
      %convert_element_type3A_118 = arith.extui %eq3A_117 : i1 to i32
      %cond3A_119 = arith.constant 0 : i32
      %cond3A_120 = arith.cmpi ne, %convert_element_type3A_118, %cond3A_119 : i32
      scf.if %cond3A_120 {
        %mul3A_142 = arith.constant 80 : i32
        %mul3A_143 = arith.muli %scan3A_87, %mul3A_142 : i32
        %add3A_144 = arith.addi %mul3A_2, %mul3A_143 : i32
        %multiple_of3A_145 = tpu.assume_multiple %add3A_144, 8 : i32
        %dma_wait3A_146 = arith.constant 0 : i32
        %dma_wait3A_147 = tpu.memref_slice %arg2[%multiple_of3A_145, %dma_wait3A_146] : memref<320000x128xf32, #tpu.memory_space<hbm>> -> memref<80x128xf32, #tpu.memory_space<hbm>>
        %dma_wait3A_148 = arith.constant 0 : i32
        %dma_wait3A_149 = tpu.memref_slice %arg2[%multiple_of3A_145, %dma_wait3A_148] : memref<320000x128xf32, #tpu.memory_space<hbm>> -> memref<80x128xf32, #tpu.memory_space<hbm>>
        tpu.wait_dma2 semaphore(%arg11 : memref<!tpu.dma_semaphore, #tpu.memory_space<semaphore_mem>>) src(%dma_wait3A_149 : memref<80x128xf32, #tpu.memory_space<hbm>>) dst(%arg7 : memref<80x128xf32, #tpu.memory_space<vmem>>)
        %add3A_150 = arith.constant 2 : i32
        %add3A_151 = arith.addi %scan3A_87, %add3A_150 : i32
        %lt3A_152 = arith.constant 125 : i32
        %lt3A_153 = arith.cmpi slt, %add3A_151, %lt3A_152 : i32
        %convert_element_type3A_154 = arith.extui %lt3A_153 : i1 to i32
        %cond3A_155 = arith.constant 0 : i32
        %cond3A_156 = arith.cmpi ne, %convert_element_type3A_154, %cond3A_155 : i32
        scf.if %cond3A_156 {
          %ge3A = arith.constant 1 : i32
          %ge3A_163 = arith.cmpi sge, %scan3A_87, %ge3A : i32
          %convert_element_type3A_164 = arith.extui %ge3A_163 : i1 to i32
          %cond3A_165 = arith.constant 0 : i32
          %cond3A_166 = arith.cmpi ne, %convert_element_type3A_164, %cond3A_165 : i32
          scf.if %cond3A_166 {
            %sub3A = arith.constant 1 : i32
            %sub3A_177 = arith.subi %scan3A_87, %sub3A : i32
            %dma_wait3A_178 = arith.constant 0 : i32
            %dma_wait3A_179 = tpu.memref_slice %arg5[%sub3A_177, %dma_wait3A_178] : memref<125x80xi32, #tpu.memory_space<vmem>> -> memref<1x80xi32, #tpu.memory_space<vmem>>
            %dma_wait3A_180 = tpu.memref_squeeze %dma_wait3A_179 : memref<1x80xi32, #tpu.memory_space<vmem>> -> memref<80xi32, #tpu.memory_space<vmem>>
            %dma_wait3A_181 = arith.constant 0 : i32
            %dma_wait3A_182 = arith.constant 0 : i32
            %dma_wait3A_183 = tpu.memref_slice %arg9[%dma_wait3A_181, %dma_wait3A_182] : memref<10240x128xf32, #tpu.memory_space<vmem_shared>> -> memref<10240x128xf32, #tpu.memory_space<vmem_shared>>
            tpu.wait_indirect_dma semaphore(%arg13 : memref<!tpu.dma_semaphore, #tpu.memory_space<semaphore_mem>>) src(%arg6 : memref<80x128xf32, #tpu.memory_space<vmem>>) dst(%dma_wait3A_183 : memref<10240x128xf32, #tpu.memory_space<vmem_shared>>)
          } else {
          }
          %add3A_167 = arith.constant 2 : i32
          %add3A_168 = arith.addi %scan3A_87, %add3A_167 : i32
          %mul3A_169 = arith.constant 80 : i32
          %mul3A_170 = arith.muli %add3A_168, %mul3A_169 : i32
          %add3A_171 = arith.addi %mul3A_2, %mul3A_170 : i32
          %multiple_of3A_172 = tpu.assume_multiple %add3A_171, 8 : i32
          %dma_start3A_173 = arith.constant 0 : i32
          %dma_start3A_174 = tpu.memref_slice %arg2[%multiple_of3A_172, %dma_start3A_173] : memref<320000x128xf32, #tpu.memory_space<hbm>> -> memref<80x128xf32, #tpu.memory_space<hbm>>
          %dma_start3A_175 = arith.constant 0 : i32
          %dma_start3A_176 = tpu.memref_slice %arg2[%multiple_of3A_172, %dma_start3A_175] : memref<320000x128xf32, #tpu.memory_space<hbm>> -> memref<80x128xf32, #tpu.memory_space<hbm>>
          tpu.enqueue_dma source(%dma_start3A_176 : memref<80x128xf32, #tpu.memory_space<hbm>>) target(%arg6 : memref<80x128xf32, #tpu.memory_space<vmem>>) target_semaphore(%arg10 : memref<!tpu.dma_semaphore, #tpu.memory_space<semaphore_mem>>)
        } else {
        }
        %dma_start3A_157 = arith.constant 0 : i32
        %dma_start3A_158 = tpu.memref_slice %arg5[%scan3A_87, %dma_start3A_157] : memref<125x80xi32, #tpu.memory_space<vmem>> -> memref<1x80xi32, #tpu.memory_space<vmem>>
        %dma_start3A_159 = tpu.memref_squeeze %dma_start3A_158 : memref<1x80xi32, #tpu.memory_space<vmem>> -> memref<80xi32, #tpu.memory_space<vmem>>
        %dma_start3A_160 = arith.constant 0 : i32
        %dma_start3A_161 = arith.constant 0 : i32
        %dma_start3A_162 = tpu.memref_slice %arg9[%dma_start3A_160, %dma_start3A_161] : memref<10240x128xf32, #tpu.memory_space<vmem_shared>> -> memref<10240x128xf32, #tpu.memory_space<vmem_shared>>
        tpu.enqueue_indirect_dma source(%arg7 : memref<80x128xf32, #tpu.memory_space<vmem>>) target(%dma_start3A_162 : memref<10240x128xf32, #tpu.memory_space<vmem_shared>>) offsets(%dma_start3A_159 : memref<80xi32, #tpu.memory_space<vmem>>) semaphore(%arg14 : memref<!tpu.dma_semaphore, #tpu.memory_space<semaphore_mem>>) {add = true}
      } else {
      }
      %jit3A_121 = arith.constant 3 : i32
      %eq3A_122 = arith.constant 0 : i32
      %eq3A_123 = arith.cmpi eq, %jit3A_121, %eq3A_122 : i32
      %jit3A_124 = arith.constant 1 : i32
      %select_n3A_125 = arith.select %eq3A_123, %jit3A_124, %jit3A_121 : i32
      %rem3A_126 = arith.remsi %scan3A_87, %select_n3A_125 : i32
      %ne3A_127 = arith.constant 0 : i32
      %ne3A_128 = arith.cmpi ne, %rem3A_126, %ne3A_127 : i32
      %lt3A_129 = arith.constant 0 : i32
      %lt3A_130 = arith.cmpi slt, %rem3A_126, %lt3A_129 : i32
      %lt3A_131 = arith.constant 0 : i32
      %lt3A_132 = arith.cmpi slt, %select_n3A_125, %lt3A_131 : i32
      %ne3A_133 = arith.xori %lt3A_130, %lt3A_132 : i1
      %and3A_134 = arith.andi %ne3A_133, %ne3A_128 : i1
      %add3A_135 = arith.addi %rem3A_126, %select_n3A_125 : i32
      %select_n3A_136 = arith.select %and3A_134, %add3A_135, %rem3A_126 : i32
      %eq3A_137 = arith.constant 2 : i32
      %eq3A_138 = arith.cmpi eq, %select_n3A_136, %eq3A_137 : i32
      %convert_element_type3A_139 = arith.extui %eq3A_138 : i1 to i32
      %cond3A_140 = arith.constant 0 : i32
      %cond3A_141 = arith.cmpi ne, %convert_element_type3A_139, %cond3A_140 : i32
      scf.if %cond3A_141 {
        %mul3A_142 = arith.constant 80 : i32
        %mul3A_143 = arith.muli %scan3A_87, %mul3A_142 : i32
        %add3A_144 = arith.addi %mul3A_2, %mul3A_143 : i32
        %multiple_of3A_145 = tpu.assume_multiple %add3A_144, 8 : i32
        %dma_wait3A_146 = arith.constant 0 : i32
        %dma_wait3A_147 = tpu.memref_slice %arg2[%multiple_of3A_145, %dma_wait3A_146] : memref<320000x128xf32, #tpu.memory_space<hbm>> -> memref<80x128xf32, #tpu.memory_space<hbm>>
        %dma_wait3A_148 = arith.constant 0 : i32
        %dma_wait3A_149 = tpu.memref_slice %arg2[%multiple_of3A_145, %dma_wait3A_148] : memref<320000x128xf32, #tpu.memory_space<hbm>> -> memref<80x128xf32, #tpu.memory_space<hbm>>
        tpu.wait_dma2 semaphore(%arg12 : memref<!tpu.dma_semaphore, #tpu.memory_space<semaphore_mem>>) src(%dma_wait3A_149 : memref<80x128xf32, #tpu.memory_space<hbm>>) dst(%arg8 : memref<80x128xf32, #tpu.memory_space<vmem>>)
        %add3A_150 = arith.constant 2 : i32
        %add3A_151 = arith.addi %scan3A_87, %add3A_150 : i32
        %lt3A_152 = arith.constant 125 : i32
        %lt3A_153 = arith.cmpi slt, %add3A_151, %lt3A_152 : i32
        %convert_element_type3A_154 = arith.extui %lt3A_153 : i1 to i32
        %cond3A_155 = arith.constant 0 : i32
        %cond3A_156 = arith.cmpi ne, %convert_element_type3A_154, %cond3A_155 : i32
        scf.if %cond3A_156 {
          %ge3A = arith.constant 1 : i32
          %ge3A_163 = arith.cmpi sge, %scan3A_87, %ge3A : i32
          %convert_element_type3A_164 = arith.extui %ge3A_163 : i1 to i32
          %cond3A_165 = arith.constant 0 : i32
          %cond3A_166 = arith.cmpi ne, %convert_element_type3A_164, %cond3A_165 : i32
          scf.if %cond3A_166 {
            %sub3A = arith.constant 1 : i32
            %sub3A_177 = arith.subi %scan3A_87, %sub3A : i32
            %dma_wait3A_178 = arith.constant 0 : i32
            %dma_wait3A_179 = tpu.memref_slice %arg5[%sub3A_177, %dma_wait3A_178] : memref<125x80xi32, #tpu.memory_space<vmem>> -> memref<1x80xi32, #tpu.memory_space<vmem>>
            %dma_wait3A_180 = tpu.memref_squeeze %dma_wait3A_179 : memref<1x80xi32, #tpu.memory_space<vmem>> -> memref<80xi32, #tpu.memory_space<vmem>>
            %dma_wait3A_181 = arith.constant 0 : i32
            %dma_wait3A_182 = arith.constant 0 : i32
            %dma_wait3A_183 = tpu.memref_slice %arg9[%dma_wait3A_181, %dma_wait3A_182] : memref<10240x128xf32, #tpu.memory_space<vmem_shared>> -> memref<10240x128xf32, #tpu.memory_space<vmem_shared>>
            tpu.wait_indirect_dma semaphore(%arg14 : memref<!tpu.dma_semaphore, #tpu.memory_space<semaphore_mem>>) src(%arg7 : memref<80x128xf32, #tpu.memory_space<vmem>>) dst(%dma_wait3A_183 : memref<10240x128xf32, #tpu.memory_space<vmem_shared>>)
          } else {
          }
          %add3A_167 = arith.constant 2 : i32
          %add3A_168 = arith.addi %scan3A_87, %add3A_167 : i32
          %mul3A_169 = arith.constant 80 : i32
          %mul3A_170 = arith.muli %add3A_168, %mul3A_169 : i32
          %add3A_171 = arith.addi %mul3A_2, %mul3A_170 : i32
          %multiple_of3A_172 = tpu.assume_multiple %add3A_171, 8 : i32
          %dma_start3A_173 = arith.constant 0 : i32
          %dma_start3A_174 = tpu.memref_slice %arg2[%multiple_of3A_172, %dma_start3A_173] : memref<320000x128xf32, #tpu.memory_space<hbm>> -> memref<80x128xf32, #tpu.memory_space<hbm>>
          %dma_start3A_175 = arith.constant 0 : i32
          %dma_start3A_176 = tpu.memref_slice %arg2[%multiple_of3A_172, %dma_start3A_175] : memref<320000x128xf32, #tpu.memory_space<hbm>> -> memref<80x128xf32, #tpu.memory_space<hbm>>
          tpu.enqueue_dma source(%dma_start3A_176 : memref<80x128xf32, #tpu.memory_space<hbm>>) target(%arg7 : memref<80x128xf32, #tpu.memory_space<vmem>>) target_semaphore(%arg11 : memref<!tpu.dma_semaphore, #tpu.memory_space<semaphore_mem>>)
        } else {
        }
        %dma_start3A_157 = arith.constant 0 : i32
        %dma_start3A_158 = tpu.memref_slice %arg5[%scan3A_87, %dma_start3A_157] : memref<125x80xi32, #tpu.memory_space<vmem>> -> memref<1x80xi32, #tpu.memory_space<vmem>>
        %dma_start3A_159 = tpu.memref_squeeze %dma_start3A_158 : memref<1x80xi32, #tpu.memory_space<vmem>> -> memref<80xi32, #tpu.memory_space<vmem>>
        %dma_start3A_160 = arith.constant 0 : i32
        %dma_start3A_161 = arith.constant 0 : i32
        %dma_start3A_162 = tpu.memref_slice %arg9[%dma_start3A_160, %dma_start3A_161] : memref<10240x128xf32, #tpu.memory_space<vmem_shared>> -> memref<10240x128xf32, #tpu.memory_space<vmem_shared>>
        tpu.enqueue_indirect_dma source(%arg8 : memref<80x128xf32, #tpu.memory_space<vmem>>) target(%dma_start3A_162 : memref<10240x128xf32, #tpu.memory_space<vmem_shared>>) offsets(%dma_start3A_159 : memref<80xi32, #tpu.memory_space<vmem>>) semaphore(%arg15 : memref<!tpu.dma_semaphore, #tpu.memory_space<semaphore_mem>>) {add = true}
      } else {
      }
    }
    %scan3A_58 = arith.constant 125 : i32
    %dma_wait3A = arith.constant 122 : i32
    %dma_wait3A_59 = arith.constant 0 : i32
    %dma_wait3A_60 = tpu.memref_slice %arg5[%dma_wait3A, %dma_wait3A_59] : memref<125x80xi32, #tpu.memory_space<vmem>> -> memref<1x80xi32, #tpu.memory_space<vmem>>
    %dma_wait3A_61 = tpu.memref_squeeze %dma_wait3A_60 : memref<1x80xi32, #tpu.memory_space<vmem>> -> memref<80xi32, #tpu.memory_space<vmem>>
    %dma_wait3A_62 = arith.constant 0 : i32
    %dma_wait3A_63 = arith.constant 0 : i32
    %dma_wait3A_64 = tpu.memref_slice %arg9[%dma_wait3A_62, %dma_wait3A_63] : memref<10240x128xf32, #tpu.memory_space<vmem_shared>> -> memref<10240x128xf32, #tpu.memory_space<vmem_shared>>
    tpu.wait_indirect_dma semaphore(%arg15 : memref<!tpu.dma_semaphore, #tpu.memory_space<semaphore_mem>>) src(%arg8 : memref<80x128xf32, #tpu.memory_space<vmem>>) dst(%dma_wait3A_64 : memref<10240x128xf32, #tpu.memory_space<vmem_shared>>)
    %dma_wait3A_65 = arith.constant 123 : i32
    %dma_wait3A_66 = arith.constant 0 : i32
    %dma_wait3A_67 = tpu.memref_slice %arg5[%dma_wait3A_65, %dma_wait3A_66] : memref<125x80xi32, #tpu.memory_space<vmem>> -> memref<1x80xi32, #tpu.memory_space<vmem>>
    %dma_wait3A_68 = tpu.memref_squeeze %dma_wait3A_67 : memref<1x80xi32, #tpu.memory_space<vmem>> -> memref<80xi32, #tpu.memory_space<vmem>>
    %dma_wait3A_69 = arith.constant 0 : i32
    %dma_wait3A_70 = arith.constant 0 : i32
    %dma_wait3A_71 = tpu.memref_slice %arg9[%dma_wait3A_69, %dma_wait3A_70] : memref<10240x128xf32, #tpu.memory_space<vmem_shared>> -> memref<10240x128xf32, #tpu.memory_space<vmem_shared>>
    tpu.wait_indirect_dma semaphore(%arg13 : memref<!tpu.dma_semaphore, #tpu.memory_space<semaphore_mem>>) src(%arg6 : memref<80x128xf32, #tpu.memory_space<vmem>>) dst(%dma_wait3A_71 : memref<10240x128xf32, #tpu.memory_space<vmem_shared>>)
    %dma_wait3A_72 = arith.constant 124 : i32
    %dma_wait3A_73 = arith.constant 0 : i32
    %dma_wait3A_74 = tpu.memref_slice %arg5[%dma_wait3A_72, %dma_wait3A_73] : memref<125x80xi32, #tpu.memory_space<vmem>> -> memref<1x80xi32, #tpu.memory_space<vmem>>
    %dma_wait3A_75 = tpu.memref_squeeze %dma_wait3A_74 : memref<1x80xi32, #tpu.memory_space<vmem>> -> memref<80xi32, #tpu.memory_space<vmem>>
    %dma_wait3A_76 = arith.constant 0 : i32
    %dma_wait3A_77 = arith.constant 0 : i32
    %dma_wait3A_78 = tpu.memref_slice %arg9[%dma_wait3A_76, %dma_wait3A_77] : memref<10240x128xf32, #tpu.memory_space<vmem_shared>> -> memref<10240x128xf32, #tpu.memory_space<vmem_shared>>
    tpu.wait_indirect_dma semaphore(%arg14 : memref<!tpu.dma_semaphore, #tpu.memory_space<semaphore_mem>>) src(%arg7 : memref<80x128xf32, #tpu.memory_space<vmem>>) dst(%dma_wait3A_78 : memref<10240x128xf32, #tpu.memory_space<vmem_shared>>)
    %barrier3A_79 = arith.constant 0 : index
    tpu.barrier barrier_id(%barrier3A_79)
    %mul3A_80 = arith.constant 640 : i32
    %mul3A_81 = arith.muli %arg1, %mul3A_80 : i32
    %mul3A_82 = arith.constant 10240 : i32
    %mul3A_83 = arith.muli %arg0, %mul3A_82 : i32
    %mul3A_84 = arith.constant 640 : i32
    %mul3A_85 = arith.muli %arg1, %mul3A_84 : i32
    %add3A_86 = arith.addi %mul3A_83, %mul3A_85 : i32
    "tpu.region"() ({
      %run_scoped3A = tpu.sem_alloc : memref<!tpu.dma_semaphore, #tpu.memory_space<semaphore_mem>>
      %dma_start3A_87 = arith.constant 0 : i32
      %dma_start3A_88 = tpu.memref_slice %arg4[%add3A_86, %dma_start3A_87] : memref<20480x128xf32, #tpu.memory_space<hbm>> -> memref<640x128xf32, #tpu.memory_space<hbm>>
      %dma_start3A_89 = arith.constant 0 : i32
      %dma_start3A_90 = tpu.memref_slice %arg9[%mul3A_81, %dma_start3A_89] : memref<10240x128xf32, #tpu.memory_space<vmem_shared>> -> memref<640x128xf32, #tpu.memory_space<vmem_shared>>
      tpu.enqueue_dma source(%dma_start3A_90 : memref<640x128xf32, #tpu.memory_space<vmem_shared>>) target(%dma_start3A_88 : memref<640x128xf32, #tpu.memory_space<hbm>>) target_semaphore(%run_scoped3A : memref<!tpu.dma_semaphore, #tpu.memory_space<semaphore_mem>>)
      %dma_wait3A_91 = arith.constant 0 : i32
      %dma_wait3A_92 = tpu.memref_slice %arg4[%add3A_86, %dma_wait3A_91] : memref<20480x128xf32, #tpu.memory_space<hbm>> -> memref<640x128xf32, #tpu.memory_space<hbm>>
      %dma_wait3A_93 = arith.constant 0 : i32
      %dma_wait3A_94 = tpu.memref_slice %arg9[%mul3A_81, %dma_wait3A_93] : memref<10240x128xf32, #tpu.memory_space<vmem_shared>> -> memref<640x128xf32, #tpu.memory_space<vmem_shared>>
      tpu.wait_dma2 semaphore(%run_scoped3A : memref<!tpu.dma_semaphore, #tpu.memory_space<semaphore_mem>>) src(%dma_wait3A_94 : memref<640x128xf32, #tpu.memory_space<vmem_shared>>) dst(%dma_wait3A_92 : memref<640x128xf32, #tpu.memory_space<hbm>>)
      tpu.yield
    }) : () -> ()
    return
  }
}

module attributes {stable_mosaic.version = 14 : i64} {
  func.func @_proj_body(%arg0: i32, %arg1: memref<1000x128xf32, #tpu.memory_space<vmem>>, %arg2: memref<128x256xf32, #tpu.memory_space<vmem>>, %arg3: memref<128x256xf32, #tpu.memory_space<vmem>>, %arg4: memref<1x256xf32, #tpu.memory_space<vmem>>, %arg5: memref<1x256xf32, #tpu.memory_space<vmem>>, %arg6: memref<1000x128xi32, #tpu.memory_space<vmem>>, %arg7: memref<1000x128xi32, #tpu.memory_space<vmem>>) attributes {dimension_semantics = [#tpu.dimension_semantics<arbitrary>], iteration_bounds = array<i64: 10>, scalar_prefetch = 0 : i64, scratch_operands = 0 : i64, tpu.core_type = #tpu.core_type<tc>, window_params = [{transform_indices = @transform_0, window_bounds = array<i64: 1000, 128>}, {pipeline_mode = #tpu.pipeline_mode<synchronous>, transform_indices = @transform_1, window_bounds = array<i64: 128, 256>}, {pipeline_mode = #tpu.pipeline_mode<synchronous>, transform_indices = @transform_2, window_bounds = array<i64: 128, 256>}, {pipeline_mode = #tpu.pipeline_mode<synchronous>, transform_indices = @transform_3, window_bounds = array<i64: 1, 256>}, {pipeline_mode = #tpu.pipeline_mode<synchronous>, transform_indices = @transform_4, window_bounds = array<i64: 1, 256>}, {transform_indices = @transform_5, window_bounds = array<i64: 1000, 128>}, {transform_indices = @transform_6, window_bounds = array<i64: 1000, 128>}]} {
    %get3A = arith.constant 0 : index
    %get3A_0 = arith.constant 0 : index
    %get3A_1 = vector.load %arg1[%get3A, %get3A_0] : memref<1000x128xf32, #tpu.memory_space<vmem>>, vector<1000x128xf32>
    %get3A_2 = arith.constant 0 : index
    %get3A_3 = arith.constant 0 : index
    %get3A_4 = vector.load %arg2[%get3A_2, %get3A_3] : memref<128x256xf32, #tpu.memory_space<vmem>>, vector<128x256xf32>
    %dot_general3A = arith.constant dense<0.000000e+00> : vector<1000x256xf32>
    %dot_general3A_5 = tpu.matmul %get3A_1, %get3A_4, %dot_general3A {dimension_numbers = #tpu.dot_dimension_numbers<[1], [0], [0], [1], [0, 0, 1, 1], [], []>, transpose_lhs_hint = false} : vector<1000x128xf32>, vector<128x256xf32>, vector<1000x256xf32> -> vector<1000x256xf32>
    %get3A_6 = arith.constant 0 : index
    %get3A_7 = arith.constant 0 : index
    %get3A_8 = vector.load %arg4[%get3A_6, %get3A_7] : memref<1x256xf32, #tpu.memory_space<vmem>>, vector<1x256xf32>
    %add3A = vector.broadcast %get3A_8 : vector<1x256xf32> to vector<1000x256xf32>
    %add3A_9 = arith.addf %dot_general3A_5, %add3A : vector<1000x256xf32>
    %slice3A = vector.extract_strided_slice %add3A_9 {offsets = [0, 0], sizes = [1000, 128], strides = [1, 1]} : vector<1000x256xf32> to vector<1000x128xf32>
    %convert_element_type3A = arith.truncf %slice3A : vector<1000x128xf32> to vector<1000x128xbf16>
    %bitcast_convert_type3A = tpu.bitcast %convert_element_type3A : vector<1000x128xbf16> -> vector<1000x128xi16>
    %convert_element_type3A_10 = arith.extui %bitcast_convert_type3A : vector<1000x128xi16> to vector<1000x128xi32>
    %slice3A_11 = vector.extract_strided_slice %add3A_9 {offsets = [0, 128], sizes = [1000, 128], strides = [1, 1]} : vector<1000x256xf32> to vector<1000x128xf32>
    %convert_element_type3A_12 = arith.truncf %slice3A_11 : vector<1000x128xf32> to vector<1000x128xbf16>
    %bitcast_convert_type3A_13 = tpu.bitcast %convert_element_type3A_12 : vector<1000x128xbf16> -> vector<1000x128xi16>
    %convert_element_type3A_14 = arith.extui %bitcast_convert_type3A_13 : vector<1000x128xi16> to vector<1000x128xi32>
    %shift_left3A = arith.constant 16 : i32
    %shift_left3A_15 = vector.broadcast %shift_left3A : i32 to vector<1000x128xi32>
    %shift_left3A_16 = arith.shli %convert_element_type3A_14, %shift_left3A_15 : vector<1000x128xi32>
    %or3A = arith.ori %shift_left3A_16, %convert_element_type3A_10 : vector<1000x128xi32>
    %bitcast_convert_type3A_17 = tpu.bitcast %or3A : vector<1000x128xi32> -> vector<1000x128xi32>
    %swap3A = arith.constant 0 : index
    %swap3A_18 = arith.constant 0 : index
    %swap3A_19 = vector.load %arg6[%swap3A, %swap3A_18] : memref<1000x128xi32, #tpu.memory_space<vmem>>, vector<1000x128xi32>
    tpu.vector_store %arg6[%swap3A, %swap3A_18], %bitcast_convert_type3A_17 {strides = array<i32>} : memref<1000x128xi32, #tpu.memory_space<vmem>>, vector<1000x128xi32>,
    %get3A_20 = arith.constant 0 : index
    %get3A_21 = arith.constant 0 : index
    %get3A_22 = vector.load %arg3[%get3A_20, %get3A_21] : memref<128x256xf32, #tpu.memory_space<vmem>>, vector<128x256xf32>
    %dot_general3A_23 = arith.constant dense<0.000000e+00> : vector<1000x256xf32>
    %dot_general3A_24 = tpu.matmul %get3A_1, %get3A_22, %dot_general3A_23 {dimension_numbers = #tpu.dot_dimension_numbers<[1], [0], [0], [1], [0, 0, 1, 1], [], []>, transpose_lhs_hint = false} : vector<1000x128xf32>, vector<128x256xf32>, vector<1000x256xf32> -> vector<1000x256xf32>
    %get3A_25 = arith.constant 0 : index
    %get3A_26 = arith.constant 0 : index
    %get3A_27 = vector.load %arg5[%get3A_25, %get3A_26] : memref<1x256xf32, #tpu.memory_space<vmem>>, vector<1x256xf32>
    %add3A_28 = vector.broadcast %get3A_27 : vector<1x256xf32> to vector<1000x256xf32>
    %add3A_29 = arith.addf %dot_general3A_24, %add3A_28 : vector<1000x256xf32>
    %slice3A_30 = vector.extract_strided_slice %add3A_29 {offsets = [0, 0], sizes = [1000, 128], strides = [1, 1]} : vector<1000x256xf32> to vector<1000x128xf32>
    %convert_element_type3A_31 = arith.truncf %slice3A_30 : vector<1000x128xf32> to vector<1000x128xbf16>
    %bitcast_convert_type3A_32 = tpu.bitcast %convert_element_type3A_31 : vector<1000x128xbf16> -> vector<1000x128xi16>
    %convert_element_type3A_33 = arith.extui %bitcast_convert_type3A_32 : vector<1000x128xi16> to vector<1000x128xi32>
    %slice3A_34 = vector.extract_strided_slice %add3A_29 {offsets = [0, 128], sizes = [1000, 128], strides = [1, 1]} : vector<1000x256xf32> to vector<1000x128xf32>
    %convert_element_type3A_35 = arith.truncf %slice3A_34 : vector<1000x128xf32> to vector<1000x128xbf16>
    %bitcast_convert_type3A_36 = tpu.bitcast %convert_element_type3A_35 : vector<1000x128xbf16> -> vector<1000x128xi16>
    %convert_element_type3A_37 = arith.extui %bitcast_convert_type3A_36 : vector<1000x128xi16> to vector<1000x128xi32>
    %shift_left3A_38 = arith.constant 16 : i32
    %shift_left3A_39 = vector.broadcast %shift_left3A_38 : i32 to vector<1000x128xi32>
    %shift_left3A_40 = arith.shli %convert_element_type3A_37, %shift_left3A_39 : vector<1000x128xi32>
    %or3A_41 = arith.ori %shift_left3A_40, %convert_element_type3A_33 : vector<1000x128xi32>
    %bitcast_convert_type3A_42 = tpu.bitcast %or3A_41 : vector<1000x128xi32> -> vector<1000x128xi32>
    %swap3A_43 = arith.constant 0 : index
    %swap3A_44 = arith.constant 0 : index
    %swap3A_45 = vector.load %arg7[%swap3A_43, %swap3A_44] : memref<1000x128xi32, #tpu.memory_space<vmem>>, vector<1000x128xi32>
    tpu.vector_store %arg7[%swap3A_43, %swap3A_44], %bitcast_convert_type3A_42 {strides = array<i32>} : memref<1000x128xi32, #tpu.memory_space<vmem>>, vector<1000x128xi32>,
    return
  }
  func.func @transform_0(%arg0: i32) -> (i32, i32) {
    %c0_i32 = arith.constant 0 : i32
    %c0_i32_0 = arith.constant 0 : i32
    return %arg0, %c0_i32 : i32, i32
  }
  func.func @transform_1(%arg0: i32) -> (i32, i32) {
    %c0_i32 = arith.constant 0 : i32
    %c0_i32_0 = arith.constant 0 : i32
    %c0_i32_1 = arith.constant 0 : i32
    return %c0_i32, %c0_i32_0 : i32, i32
  }
  func.func @transform_2(%arg0: i32) -> (i32, i32) {
    %c0_i32 = arith.constant 0 : i32
    %c0_i32_0 = arith.constant 0 : i32
    %c0_i32_1 = arith.constant 0 : i32
    return %c0_i32, %c0_i32_0 : i32, i32
  }
  func.func @transform_3(%arg0: i32) -> (i32, i32) {
    %c0_i32 = arith.constant 0 : i32
    %c0_i32_0 = arith.constant 0 : i32
    %c0_i32_1 = arith.constant 0 : i32
    return %c0_i32, %c0_i32_0 : i32, i32
  }
  func.func @transform_4(%arg0: i32) -> (i32, i32) {
    %c0_i32 = arith.constant 0 : i32
    %c0_i32_0 = arith.constant 0 : i32
    %c0_i32_1 = arith.constant 0 : i32
    return %c0_i32, %c0_i32_0 : i32, i32
  }
  func.func @transform_5(%arg0: i32) -> (i32, i32) {
    %c0_i32 = arith.constant 0 : i32
    %c0_i32_0 = arith.constant 0 : i32
    return %arg0, %c0_i32 : i32, i32
  }
  func.func @transform_6(%arg0: i32) -> (i32, i32) {
    %c0_i32 = arith.constant 0 : i32
    %c0_i32_0 = arith.constant 0 : i32
    return %arg0, %c0_i32 : i32, i32
  }
}

module attributes {stable_mosaic.version = 14 : i64} {
  func.func @_stats_body(%arg0: i32, %arg1: memref<2000x128xi32, #tpu.memory_space<vmem>>, %arg2: memref<2000x128xi32, #tpu.memory_space<vmem>>, %arg3: memref<2000x16xf32, #tpu.memory_space<vmem>>, %arg4: memref<16x256xf32, #tpu.memory_space<vmem>>, %arg5: memref<8x256xf32, #tpu.memory_space<vmem>>) attributes {dimension_semantics = [#tpu.dimension_semantics<arbitrary>], iteration_bounds = array<i64: 160>, scalar_prefetch = 0 : i64, scratch_operands = 0 : i64, tpu.core_type = #tpu.core_type<tc>, window_params = [{transform_indices = @transform_0, window_bounds = array<i64: 2000, 128>}, {transform_indices = @transform_1, window_bounds = array<i64: 2000, 128>}, {transform_indices = @transform_2, window_bounds = array<i64: 2000, 16>}, {pipeline_mode = #tpu.pipeline_mode<synchronous>, transform_indices = @transform_3, window_bounds = array<i64: 16, 256>}, {pipeline_mode = #tpu.pipeline_mode<synchronous>, transform_indices = @transform_4, window_bounds = array<i64: 8, 256>}]} {
    %get3A = arith.constant 0 : index
    %get3A_0 = arith.constant 0 : index
    %get3A_1 = vector.load %arg1[%get3A, %get3A_0] : memref<2000x128xi32, #tpu.memory_space<vmem>>, vector<2000x128xi32>
    %bitcast_convert_type3A = tpu.bitcast %get3A_1 : vector<2000x128xi32> -> vector<2000x128xi32>
    %shift_left3A = arith.constant 16 : i32
    %shift_left3A_2 = vector.broadcast %shift_left3A : i32 to vector<2000x128xi32>
    %shift_left3A_3 = arith.shli %bitcast_convert_type3A, %shift_left3A_2 : vector<2000x128xi32>
    %bitcast_convert_type3A_4 = tpu.bitcast %shift_left3A_3 : vector<2000x128xi32> -> vector<2000x128xf32>
    %and3A = arith.constant -65536 : i32
    %and3A_5 = vector.broadcast %and3A : i32 to vector<2000x128xi32>
    %and3A_6 = arith.andi %bitcast_convert_type3A, %and3A_5 : vector<2000x128xi32>
    %bitcast_convert_type3A_7 = tpu.bitcast %and3A_6 : vector<2000x128xi32> -> vector<2000x128xf32>
    %get3A_8 = arith.constant 0 : index
    %get3A_9 = arith.constant 0 : index
    %get3A_10 = vector.load %arg2[%get3A_8, %get3A_9] : memref<2000x128xi32, #tpu.memory_space<vmem>>, vector<2000x128xi32>
    %bitcast_convert_type3A_11 = tpu.bitcast %get3A_10 : vector<2000x128xi32> -> vector<2000x128xi32>
    %shift_left3A_12 = arith.constant 16 : i32
    %shift_left3A_13 = vector.broadcast %shift_left3A_12 : i32 to vector<2000x128xi32>
    %shift_left3A_14 = arith.shli %bitcast_convert_type3A_11, %shift_left3A_13 : vector<2000x128xi32>
    %bitcast_convert_type3A_15 = tpu.bitcast %shift_left3A_14 : vector<2000x128xi32> -> vector<2000x128xf32>
    %and3A_16 = arith.constant -65536 : i32
    %and3A_17 = vector.broadcast %and3A_16 : i32 to vector<2000x128xi32>
    %and3A_18 = arith.andi %bitcast_convert_type3A_11, %and3A_17 : vector<2000x128xi32>
    %bitcast_convert_type3A_19 = tpu.bitcast %and3A_18 : vector<2000x128xi32> -> vector<2000x128xf32>
    %get3A_20 = arith.constant 0 : index
    %get3A_21 = arith.constant 0 : index
    %get3A_22 = vector.load %arg3[%get3A_20, %get3A_21] : memref<2000x16xf32, #tpu.memory_space<vmem>>, vector<2000x16xf32>
    %get3A_23 = arith.constant 0 : index
    %get3A_24 = arith.constant 0 : index
    %get3A_25 = vector.load %arg4[%get3A_23, %get3A_24] : memref<16x256xf32, #tpu.memory_space<vmem>>, vector<16x256xf32>
    %dot_general3A = arith.constant dense<0.000000e+00> : vector<2000x256xf32>
    %dot_general3A_26 = tpu.matmul %get3A_22, %get3A_25, %dot_general3A {dimension_numbers = #tpu.dot_dimension_numbers<[1], [0], [0], [1], [0, 0, 1, 1], [], []>, transpose_lhs_hint = false} : vector<2000x16xf32>, vector<16x256xf32>, vector<2000x256xf32> -> vector<2000x256xf32>
    %add3A = arith.addf %bitcast_convert_type3A_4, %bitcast_convert_type3A_15 : vector<2000x128xf32>
    %slice3A = vector.extract_strided_slice %dot_general3A_26 {offsets = [0, 0], sizes = [2000, 128], strides = [1, 1]} : vector<2000x256xf32> to vector<2000x128xf32>
    %add3A_27 = arith.addf %add3A, %slice3A : vector<2000x128xf32>
    %add3A_28 = arith.addf %bitcast_convert_type3A_7, %bitcast_convert_type3A_19 : vector<2000x128xf32>
    %slice3A_29 = vector.extract_strided_slice %dot_general3A_26 {offsets = [0, 128], sizes = [2000, 128], strides = [1, 1]} : vector<2000x256xf32> to vector<2000x128xf32>
    %add3A_30 = arith.addf %add3A_28, %slice3A_29 : vector<2000x128xf32>
    %reduce_sum3A = arith.constant dense<0.000000e+00> : vector<128xf32>
    %reduce_sum3A_31 = vector.multi_reduction <add>, %add3A_27, %reduce_sum3A [0] : vector<2000x128xf32> to vector<128xf32>
    %broadcast_in_dim3A = vector.shape_cast %reduce_sum3A_31 : vector<128xf32> to vector<1x128xf32>
    %reduce_sum3A_32 = arith.constant dense<0.000000e+00> : vector<128xf32>
    %reduce_sum3A_33 = vector.multi_reduction <add>, %add3A_30, %reduce_sum3A_32 [0] : vector<2000x128xf32> to vector<128xf32>
    %broadcast_in_dim3A_34 = vector.shape_cast %reduce_sum3A_33 : vector<128xf32> to vector<1x128xf32>
    %concatenate3A = tpu.concatenate %broadcast_in_dim3A, %broadcast_in_dim3A_34 in 1 : vector<1x128xf32>, vector<1x128xf32> -> vector<1x256xf32>
    %mul3A = arith.mulf %add3A_27, %add3A_27 : vector<2000x128xf32>
    %reduce_sum3A_35 = arith.constant dense<0.000000e+00> : vector<128xf32>
    %reduce_sum3A_36 = vector.multi_reduction <add>, %mul3A, %reduce_sum3A_35 [0] : vector<2000x128xf32> to vector<128xf32>
    %broadcast_in_dim3A_37 = vector.shape_cast %reduce_sum3A_36 : vector<128xf32> to vector<1x128xf32>
    %mul3A_38 = arith.mulf %add3A_30, %add3A_30 : vector<2000x128xf32>
    %reduce_sum3A_39 = arith.constant dense<0.000000e+00> : vector<128xf32>
    %reduce_sum3A_40 = vector.multi_reduction <add>, %mul3A_38, %reduce_sum3A_39 [0] : vector<2000x128xf32> to vector<128xf32>
    %broadcast_in_dim3A_41 = vector.shape_cast %reduce_sum3A_40 : vector<128xf32> to vector<1x128xf32>
    %concatenate3A_42 = tpu.concatenate %broadcast_in_dim3A_37, %broadcast_in_dim3A_41 in 1 : vector<1x128xf32>, vector<1x128xf32> -> vector<1x256xf32>
    %broadcast_in_dim3A_43 = arith.constant 0.000000e+00 : f32
    %broadcast_in_dim3A_44 = vector.broadcast %broadcast_in_dim3A_43 : f32 to vector<6x256xf32>
    %concatenate3A_45 = tpu.concatenate %concatenate3A, %concatenate3A_42, %broadcast_in_dim3A_44 in 0 : vector<1x256xf32>, vector<1x256xf32>, vector<6x256xf32> -> vector<8x256xf32>
    %eq3A = arith.constant 0 : i32
    %eq3A_46 = arith.cmpi eq, %arg0, %eq3A : i32
    %convert_element_type3A = arith.extui %eq3A_46 : i1 to i32
    %cond3A = arith.constant 0 : i32
    %cond3A_47 = arith.cmpi ne, %convert_element_type3A, %cond3A : i32
    scf.if %cond3A_47 {
      %swap3A = arith.constant 0 : index
      %swap3A_52 = arith.constant 0 : index
      %swap3A_53 = vector.load %arg5[%swap3A, %swap3A_52] : memref<8x256xf32, #tpu.memory_space<vmem>>, vector<8x256xf32>
      tpu.vector_store %arg5[%swap3A, %swap3A_52], %concatenate3A_45 {strides = array<i32>} : memref<8x256xf32, #tpu.memory_space<vmem>>, vector<8x256xf32>,
    } else {
    }
    %gt3A = arith.constant 0 : i32
    %gt3A_48 = arith.cmpi sgt, %arg0, %gt3A : i32
    %convert_element_type3A_49 = arith.extui %gt3A_48 : i1 to i32
    %cond3A_50 = arith.constant 0 : i32
    %cond3A_51 = arith.cmpi ne, %convert_element_type3A_49, %cond3A_50 : i32
    scf.if %cond3A_51 {
      %get3A_52 = arith.constant 0 : index
      %get3A_53 = arith.constant 0 : index
      %get3A_54 = vector.load %arg5[%get3A_52, %get3A_53] : memref<8x256xf32, #tpu.memory_space<vmem>>, vector<8x256xf32>
      %add3A_55 = arith.addf %get3A_54, %concatenate3A_45 : vector<8x256xf32>
      %swap3A = arith.constant 0 : index
      %swap3A_56 = arith.constant 0 : index
      %swap3A_57 = vector.load %arg5[%swap3A, %swap3A_56] : memref<8x256xf32, #tpu.memory_space<vmem>>, vector<8x256xf32>
      tpu.vector_store %arg5[%swap3A, %swap3A_56], %add3A_55 {strides = array<i32>} : memref<8x256xf32, #tpu.memory_space<vmem>>, vector<8x256xf32>,
    } else {
    }
    return
  }
  func.func @transform_0(%arg0: i32) -> (i32, i32) {
    %c0_i32 = arith.constant 0 : i32
    %c0_i32_0 = arith.constant 0 : i32
    return %arg0, %c0_i32 : i32, i32
  }
  func.func @transform_1(%arg0: i32) -> (i32, i32) {
    %c0_i32 = arith.constant 0 : i32
    %c0_i32_0 = arith.constant 0 : i32
    return %arg0, %c0_i32 : i32, i32
  }
  func.func @transform_2(%arg0: i32) -> (i32, i32) {
    %c0_i32 = arith.constant 0 : i32
    %c0_i32_0 = arith.constant 0 : i32
    return %arg0, %c0_i32 : i32, i32
  }
  func.func @transform_3(%arg0: i32) -> (i32, i32) {
    %c0_i32 = arith.constant 0 : i32
    %c0_i32_0 = arith.constant 0 : i32
    %c0_i32_1 = arith.constant 0 : i32
    return %c0_i32, %c0_i32_0 : i32, i32
  }
  func.func @transform_4(%arg0: i32) -> (i32, i32) {
    %c0_i32 = arith.constant 0 : i32
    %c0_i32_0 = arith.constant 0 : i32
    %c0_i32_1 = arith.constant 0 : i32
    return %c0_i32, %c0_i32_0 : i32, i32
  }
}

module attributes {stable_mosaic.version = 14 : i64} {
  func.func @_gate_body(%arg0: i32, %arg1: memref<2000x128xi32, #tpu.memory_space<vmem>>, %arg2: memref<2000x128xi32, #tpu.memory_space<vmem>>, %arg3: memref<2000x16xf32, #tpu.memory_space<vmem>>, %arg4: memref<16x256xf32, #tpu.memory_space<vmem>>, %arg5: memref<8x256xf32, #tpu.memory_space<vmem>>, %arg6: memref<1x256xf32, #tpu.memory_space<vmem>>, %arg7: memref<1x256xf32, #tpu.memory_space<vmem>>, %arg8: memref<2000x128xf32, #tpu.memory_space<vmem>>) attributes {dimension_semantics = [#tpu.dimension_semantics<arbitrary>], iteration_bounds = array<i64: 160>, scalar_prefetch = 0 : i64, scratch_operands = 0 : i64, tpu.core_type = #tpu.core_type<tc>, window_params = [{transform_indices = @transform_0, window_bounds = array<i64: 2000, 128>}, {transform_indices = @transform_1, window_bounds = array<i64: 2000, 128>}, {transform_indices = @transform_2, window_bounds = array<i64: 2000, 16>}, {pipeline_mode = #tpu.pipeline_mode<synchronous>, transform_indices = @transform_3, window_bounds = array<i64: 16, 256>}, {pipeline_mode = #tpu.pipeline_mode<synchronous>, transform_indices = @transform_4, window_bounds = array<i64: 8, 256>}, {pipeline_mode = #tpu.pipeline_mode<synchronous>, transform_indices = @transform_5, window_bounds = array<i64: 1, 256>}, {pipeline_mode = #tpu.pipeline_mode<synchronous>, transform_indices = @transform_6, window_bounds = array<i64: 1, 256>}, {transform_indices = @transform_7, window_bounds = array<i64: 2000, 128>}]} {
    %get3A = arith.constant 0 : index
    %get3A_0 = arith.constant 0 : index
    %get3A_1 = vector.load %arg5[%get3A, %get3A_0] : memref<8x256xf32, #tpu.memory_space<vmem>>, vector<1x256xf32>
    %get3A_2 = arith.constant 1 : index
    %get3A_3 = arith.constant 0 : index
    %get3A_4 = vector.load %arg5[%get3A_2, %get3A_3] : memref<8x256xf32, #tpu.memory_space<vmem>>, vector<1x256xf32>
    %mul3A = arith.constant 3.125000e-06 : f32
    %mul3A_5 = vector.broadcast %mul3A : f32 to vector<1x256xf32>
    %mul3A_6 = arith.mulf %get3A_1, %mul3A_5 : vector<1x256xf32>
    %mul3A_7 = arith.constant 3.125000e-06 : f32
    %mul3A_8 = vector.broadcast %mul3A_7 : f32 to vector<1x256xf32>
    %mul3A_9 = arith.mulf %get3A_4, %mul3A_8 : vector<1x256xf32>
    %mul3A_10 = arith.mulf %mul3A_6, %mul3A_6 : vector<1x256xf32>
    %sub3A = arith.subf %mul3A_9, %mul3A_10 : vector<1x256xf32>
    %get3A_11 = arith.constant 0 : index
    %get3A_12 = arith.constant 0 : index
    %get3A_13 = vector.load %arg6[%get3A_11, %get3A_12] : memref<1x256xf32, #tpu.memory_space<vmem>>, vector<1x256xf32>
    %add3A = arith.constant 9.99999974E-6 : f32
    %add3A_14 = vector.broadcast %add3A : f32 to vector<1x256xf32>
    %add3A_15 = arith.addf %sub3A, %add3A_14 : vector<1x256xf32>
    %sqrt3A = math.sqrt %add3A_15 : vector<1x256xf32>
    %div3A = arith.divf %get3A_13, %sqrt3A : vector<1x256xf32>
    %get3A_16 = arith.constant 0 : index
    %get3A_17 = arith.constant 0 : index
    %get3A_18 = vector.load %arg7[%get3A_16, %get3A_17] : memref<1x256xf32, #tpu.memory_space<vmem>>, vector<1x256xf32>
    %mul3A_19 = arith.mulf %mul3A_6, %div3A : vector<1x256xf32>
    %sub3A_20 = arith.subf %get3A_18, %mul3A_19 : vector<1x256xf32>
    %get3A_21 = arith.constant 0 : index
    %get3A_22 = arith.constant 0 : index
    %get3A_23 = vector.load %arg1[%get3A_21, %get3A_22] : memref<2000x128xi32, #tpu.memory_space<vmem>>, vector<2000x128xi32>
    %bitcast_convert_type3A = tpu.bitcast %get3A_23 : vector<2000x128xi32> -> vector<2000x128xi32>
    %shift_left3A = arith.constant 16 : i32
    %shift_left3A_24 = vector.broadcast %shift_left3A : i32 to vector<2000x128xi32>
    %shift_left3A_25 = arith.shli %bitcast_convert_type3A, %shift_left3A_24 : vector<2000x128xi32>
    %bitcast_convert_type3A_26 = tpu.bitcast %shift_left3A_25 : vector<2000x128xi32> -> vector<2000x128xf32>
    %and3A = arith.constant -65536 : i32
    %and3A_27 = vector.broadcast %and3A : i32 to vector<2000x128xi32>
    %and3A_28 = arith.andi %bitcast_convert_type3A, %and3A_27 : vector<2000x128xi32>
    %bitcast_convert_type3A_29 = tpu.bitcast %and3A_28 : vector<2000x128xi32> -> vector<2000x128xf32>
    %get3A_30 = arith.constant 0 : index
    %get3A_31 = arith.constant 0 : index
    %get3A_32 = vector.load %arg2[%get3A_30, %get3A_31] : memref<2000x128xi32, #tpu.memory_space<vmem>>, vector<2000x128xi32>
    %bitcast_convert_type3A_33 = tpu.bitcast %get3A_32 : vector<2000x128xi32> -> vector<2000x128xi32>
    %shift_left3A_34 = arith.constant 16 : i32
    %shift_left3A_35 = vector.broadcast %shift_left3A_34 : i32 to vector<2000x128xi32>
    %shift_left3A_36 = arith.shli %bitcast_convert_type3A_33, %shift_left3A_35 : vector<2000x128xi32>
    %bitcast_convert_type3A_37 = tpu.bitcast %shift_left3A_36 : vector<2000x128xi32> -> vector<2000x128xf32>
    %and3A_38 = arith.constant -65536 : i32
    %and3A_39 = vector.broadcast %and3A_38 : i32 to vector<2000x128xi32>
    %and3A_40 = arith.andi %bitcast_convert_type3A_33, %and3A_39 : vector<2000x128xi32>
    %bitcast_convert_type3A_41 = tpu.bitcast %and3A_40 : vector<2000x128xi32> -> vector<2000x128xf32>
    %get3A_42 = arith.constant 0 : index
    %get3A_43 = arith.constant 0 : index
    %get3A_44 = vector.load %arg3[%get3A_42, %get3A_43] : memref<2000x16xf32, #tpu.memory_space<vmem>>, vector<2000x16xf32>
    %get3A_45 = arith.constant 0 : index
    %get3A_46 = arith.constant 0 : index
    %get3A_47 = vector.load %arg4[%get3A_45, %get3A_46] : memref<16x256xf32, #tpu.memory_space<vmem>>, vector<16x256xf32>
    %dot_general3A = arith.constant dense<0.000000e+00> : vector<2000x256xf32>
    %dot_general3A_48 = tpu.matmul %get3A_44, %get3A_47, %dot_general3A {dimension_numbers = #tpu.dot_dimension_numbers<[1], [0], [0], [1], [0, 0, 1, 1], [], []>, transpose_lhs_hint = false} : vector<2000x16xf32>, vector<16x256xf32>, vector<2000x256xf32> -> vector<2000x256xf32>
    %add3A_49 = arith.addf %bitcast_convert_type3A_26, %bitcast_convert_type3A_37 : vector<2000x128xf32>
    %slice3A = vector.extract_strided_slice %dot_general3A_48 {offsets = [0, 0], sizes = [2000, 128], strides = [1, 1]} : vector<2000x256xf32> to vector<2000x128xf32>
    %add3A_50 = arith.addf %add3A_49, %slice3A : vector<2000x128xf32>
    %slice3A_51 = vector.extract_strided_slice %div3A {offsets = [0, 0], sizes = [1, 128], strides = [1, 1]} : vector<1x256xf32> to vector<1x128xf32>
    %mul3A_52 = vector.broadcast %slice3A_51 : vector<1x128xf32> to vector<2000x128xf32>
    %mul3A_53 = arith.mulf %add3A_50, %mul3A_52 : vector<2000x128xf32>
    %slice3A_54 = vector.extract_strided_slice %sub3A_20 {offsets = [0, 0], sizes = [1, 128], strides = [1, 1]} : vector<1x256xf32> to vector<1x128xf32>
    %add3A_55 = vector.broadcast %slice3A_54 : vector<1x128xf32> to vector<2000x128xf32>
    %add3A_56 = arith.addf %mul3A_53, %add3A_55 : vector<2000x128xf32>
    %add3A_57 = arith.addf %bitcast_convert_type3A_29, %bitcast_convert_type3A_41 : vector<2000x128xf32>
    %slice3A_58 = vector.extract_strided_slice %dot_general3A_48 {offsets = [0, 128], sizes = [2000, 128], strides = [1, 1]} : vector<2000x256xf32> to vector<2000x128xf32>
    %add3A_59 = arith.addf %add3A_57, %slice3A_58 : vector<2000x128xf32>
    %slice3A_60 = vector.extract_strided_slice %div3A {offsets = [0, 128], sizes = [1, 128], strides = [1, 1]} : vector<1x256xf32> to vector<1x128xf32>
    %mul3A_61 = vector.broadcast %slice3A_60 : vector<1x128xf32> to vector<2000x128xf32>
    %mul3A_62 = arith.mulf %add3A_59, %mul3A_61 : vector<2000x128xf32>
    %slice3A_63 = vector.extract_strided_slice %sub3A_20 {offsets = [0, 128], sizes = [1, 128], strides = [1, 1]} : vector<1x256xf32> to vector<1x128xf32>
    %add3A_64 = vector.broadcast %slice3A_63 : vector<1x128xf32> to vector<2000x128xf32>
    %add3A_65 = arith.addf %mul3A_62, %add3A_64 : vector<2000x128xf32>
    %neg3A = arith.constant 0.000000e+00 : f32
    %neg3A_66 = vector.broadcast %neg3A : f32 to vector<2000x128xf32>
    %neg3A_67 = arith.subf %neg3A_66, %add3A_56 : vector<2000x128xf32>
    %exp3A = math.exp %neg3A_67 : vector<2000x128xf32>
    %add3A_68 = arith.constant 1.000000e+00 : f32
    %add3A_69 = vector.broadcast %add3A_68 : f32 to vector<2000x128xf32>
    %add3A_70 = arith.addf %add3A_69, %exp3A : vector<2000x128xf32>
    %div3A_71 = arith.constant 1.000000e+00 : f32
    %div3A_72 = vector.broadcast %div3A_71 : f32 to vector<2000x128xf32>
    %div3A_73 = arith.divf %div3A_72, %add3A_70 : vector<2000x128xf32>
    %max3A = arith.constant 0.000000e+00 : f32
    %max3A_74 = vector.broadcast %max3A : f32 to vector<2000x128xf32>
    %max3A_75 = arith.maximumf %add3A_65, %max3A_74 : vector<2000x128xf32>
    %abs3A = math.absf %add3A_65 : vector<2000x128xf32>
    %neg3A_76 = arith.constant 0.000000e+00 : f32
    %neg3A_77 = vector.broadcast %neg3A_76 : f32 to vector<2000x128xf32>
    %neg3A_78 = arith.subf %neg3A_77, %abs3A : vector<2000x128xf32>
    %exp3A_79 = math.exp %neg3A_78 : vector<2000x128xf32>
    %log1p3A = math.log1p %exp3A_79 : vector<2000x128xf32>
    %add3A_80 = arith.addf %max3A_75, %log1p3A : vector<2000x128xf32>
    %mul3A_81 = arith.mulf %div3A_73, %add3A_80 : vector<2000x128xf32>
    %swap3A = arith.constant 0 : index
    %swap3A_82 = arith.constant 0 : index
    %swap3A_83 = vector.load %arg8[%swap3A, %swap3A_82] : memref<2000x128xf32, #tpu.memory_space<vmem>>, vector<2000x128xf32>
    tpu.vector_store %arg8[%swap3A, %swap3A_82], %mul3A_81 {strides = array<i32>} : memref<2000x128xf32, #tpu.memory_space<vmem>>, vector<2000x128xf32>,
    return
  }
  func.func @transform_0(%arg0: i32) -> (i32, i32) {
    %c0_i32 = arith.constant 0 : i32
    %c0_i32_0 = arith.constant 0 : i32
    return %arg0, %c0_i32 : i32, i32
  }
  func.func @transform_1(%arg0: i32) -> (i32, i32) {
    %c0_i32 = arith.constant 0 : i32
    %c0_i32_0 = arith.constant 0 : i32
    return %arg0, %c0_i32 : i32, i32
  }
  func.func @transform_2(%arg0: i32) -> (i32, i32) {
    %c0_i32 = arith.constant 0 : i32
    %c0_i32_0 = arith.constant 0 : i32
    return %arg0, %c0_i32 : i32, i32
  }
  func.func @transform_3(%arg0: i32) -> (i32, i32) {
    %c0_i32 = arith.constant 0 : i32
    %c0_i32_0 = arith.constant 0 : i32
    %c0_i32_1 = arith.constant 0 : i32
    return %c0_i32, %c0_i32_0 : i32, i32
  }
  func.func @transform_4(%arg0: i32) -> (i32, i32) {
    %c0_i32 = arith.constant 0 : i32
    %c0_i32_0 = arith.constant 0 : i32
    %c0_i32_1 = arith.constant 0 : i32
    return %c0_i32, %c0_i32_0 : i32, i32
  }
  func.func @transform_5(%arg0: i32) -> (i32, i32) {
    %c0_i32 = arith.constant 0 : i32
    %c0_i32_0 = arith.constant 0 : i32
    %c0_i32_1 = arith.constant 0 : i32
    return %c0_i32, %c0_i32_0 : i32, i32
  }
  func.func @transform_6(%arg0: i32) -> (i32, i32) {
    %c0_i32 = arith.constant 0 : i32
    %c0_i32_0 = arith.constant 0 : i32
    %c0_i32_1 = arith.constant 0 : i32
    return %c0_i32, %c0_i32_0 : i32, i32
  }
  func.func @transform_7(%arg0: i32) -> (i32, i32) {
    %c0_i32 = arith.constant 0 : i32
    %c0_i32_0 = arith.constant 0 : i32
    return %arg0, %c0_i32 : i32, i32
  }
}

module attributes {stable_mosaic.version = 14 : i64} {
  func.func @_final_body(%arg0: memref<2x10240x128xf32, #tpu.memory_space<vmem>>, %arg1: memref<10000x128xf32, #tpu.memory_space<vmem>>, %arg2: memref<1x128xf32, #tpu.memory_space<vmem>>, %arg3: memref<1x128xf32, #tpu.memory_space<vmem>>, %arg4: memref<10000x128xf32, #tpu.memory_space<vmem>>) attributes {dimension_semantics = [], scalar_prefetch = 0 : i64, scratch_operands = 0 : i64, tpu.core_type = #tpu.core_type<tc>} {
    %get3A = arith.constant 0 : index
    %get3A_0 = arith.constant 0 : index
    %get3A_1 = arith.constant 0 : index
    %get3A_2 = vector.load %arg0[%get3A, %get3A_0, %get3A_1] : memref<2x10240x128xf32, #tpu.memory_space<vmem>>, vector<1x10000x128xf32>
    %get3A_3 = vector.shape_cast %get3A_2 : vector<1x10000x128xf32> to vector<10000x128xf32>
    %get3A_4 = arith.constant 1 : index
    %get3A_5 = arith.constant 0 : index
    %get3A_6 = arith.constant 0 : index
    %get3A_7 = vector.load %arg0[%get3A_4, %get3A_5, %get3A_6] : memref<2x10240x128xf32, #tpu.memory_space<vmem>>, vector<1x10000x128xf32>
    %get3A_8 = vector.shape_cast %get3A_7 : vector<1x10000x128xf32> to vector<10000x128xf32>
    %add3A = arith.addf %get3A_3, %get3A_8 : vector<10000x128xf32>
    %reduce_sum3A = arith.constant dense<0.000000e+00> : vector<128xf32>
    %reduce_sum3A_9 = vector.multi_reduction <add>, %add3A, %reduce_sum3A [0] : vector<10000x128xf32> to vector<128xf32>
    %broadcast_in_dim3A = vector.shape_cast %reduce_sum3A_9 : vector<128xf32> to vector<1x128xf32>
    %div3A = arith.constant 1.000000e+04 : f32
    %div3A_10 = vector.broadcast %div3A : f32 to vector<1x128xf32>
    %div3A_11 = arith.divf %broadcast_in_dim3A, %div3A_10 : vector<1x128xf32>
    %sub3A = vector.broadcast %div3A_11 : vector<1x128xf32> to vector<10000x128xf32>
    %sub3A_12 = arith.subf %add3A, %sub3A : vector<10000x128xf32>
    %integer_pow3A = arith.mulf %sub3A_12, %sub3A_12 : vector<10000x128xf32>
    %reduce_sum3A_13 = arith.constant dense<0.000000e+00> : vector<128xf32>
    %reduce_sum3A_14 = vector.multi_reduction <add>, %integer_pow3A, %reduce_sum3A_13 [0] : vector<10000x128xf32> to vector<128xf32>
    %broadcast_in_dim3A_15 = vector.shape_cast %reduce_sum3A_14 : vector<128xf32> to vector<1x128xf32>
    %div3A_16 = arith.constant 1.000000e+04 : f32
    %div3A_17 = vector.broadcast %div3A_16 : f32 to vector<1x128xf32>
    %div3A_18 = arith.divf %broadcast_in_dim3A_15, %div3A_17 : vector<1x128xf32>
    %get3A_19 = arith.constant 0 : index
    %get3A_20 = arith.constant 0 : index
    %get3A_21 = vector.load %arg2[%get3A_19, %get3A_20] : memref<1x128xf32, #tpu.memory_space<vmem>>, vector<1x128xf32>
    %sub3A_22 = vector.broadcast %div3A_11 : vector<1x128xf32> to vector<10000x128xf32>
    %sub3A_23 = arith.subf %add3A, %sub3A_22 : vector<10000x128xf32>
    %mul3A = vector.broadcast %get3A_21 : vector<1x128xf32> to vector<10000x128xf32>
    %mul3A_24 = arith.mulf %mul3A, %sub3A_23 : vector<10000x128xf32>
    %add3A_25 = arith.constant 9.99999974E-6 : f32
    %add3A_26 = vector.broadcast %add3A_25 : f32 to vector<1x128xf32>
    %add3A_27 = arith.addf %div3A_18, %add3A_26 : vector<1x128xf32>
    %sqrt3A = math.sqrt %add3A_27 : vector<1x128xf32>
    %div3A_28 = vector.broadcast %sqrt3A : vector<1x128xf32> to vector<10000x128xf32>
    %div3A_29 = arith.divf %mul3A_24, %div3A_28 : vector<10000x128xf32>
    %get3A_30 = arith.constant 0 : index
    %get3A_31 = arith.constant 0 : index
    %get3A_32 = vector.load %arg3[%get3A_30, %get3A_31] : memref<1x128xf32, #tpu.memory_space<vmem>>, vector<1x128xf32>
    %add3A_33 = vector.broadcast %get3A_32 : vector<1x128xf32> to vector<10000x128xf32>
    %add3A_34 = arith.addf %div3A_29, %add3A_33 : vector<10000x128xf32>
    %get3A_35 = arith.constant 0 : index
    %get3A_36 = arith.constant 0 : index
    %get3A_37 = vector.load %arg1[%get3A_35, %get3A_36] : memref<10000x128xf32, #tpu.memory_space<vmem>>, vector<10000x128xf32>
    %add3A_38 = arith.addf %get3A_37, %add3A_34 : vector<10000x128xf32>
    %custom_jvp_call3A = arith.constant 0.000000e+00 : f32
    %max3A = vector.broadcast %custom_jvp_call3A : f32 to vector<10000x128xf32>
    %max3A_39 = arith.maximumf %add3A_38, %max3A : vector<10000x128xf32>
    %sub3A_40 = vector.broadcast %custom_jvp_call3A : f32 to vector<10000x128xf32>
    %sub3A_41 = arith.subf %add3A_38, %sub3A_40 : vector<10000x128xf32>
    %ne3A = arith.cmpf one, %sub3A_41, %sub3A_41 : vector<10000x128xf32>
    %add3A_42 = vector.broadcast %custom_jvp_call3A : f32 to vector<10000x128xf32>
    %add3A_43 = arith.addf %add3A_38, %add3A_42 : vector<10000x128xf32>
    %abs3A = math.absf %sub3A_41 : vector<10000x128xf32>
    %neg3A = arith.constant 0.000000e+00 : f32
    %neg3A_44 = vector.broadcast %neg3A : f32 to vector<10000x128xf32>
    %neg3A_45 = arith.subf %neg3A_44, %abs3A : vector<10000x128xf32>
    %exp3A = math.exp %neg3A_45 : vector<10000x128xf32>
    %log1p3A = math.log1p %exp3A : vector<10000x128xf32>
    %add3A_46 = arith.addf %max3A_39, %log1p3A : vector<10000x128xf32>
    %select_n3A = arith.select %ne3A, %add3A_43, %add3A_46 : vector<10000x128xi1>, vector<10000x128xf32>
    %swap3A = arith.constant 0 : index
    %swap3A_47 = arith.constant 0 : index
    %swap3A_48 = vector.load %arg4[%swap3A, %swap3A_47] : memref<10000x128xf32, #tpu.memory_space<vmem>>, vector<10000x128xf32>
    tpu.vector_store %arg4[%swap3A, %swap3A_47], %select_n3A {strides = array<i32>} : memref<10000x128xf32, #tpu.memory_space<vmem>>, vector<10000x128xf32>,
    return
  }
}

</mosaic_0001>

<sc_bundles>
// kernel: kernel.11.cloned.1.call-start
scs
__scs_entry_jumppad:
0x0: {  	(pc) =	sbr.rel $0x88, $3  }
0x1: {  	(tag) =	ssettag $0x0;
	lr =	simm.s32 $0x1  }
0x2: {  	[smem:$0x3F95] =	sst lr;
	_ =	strace $0xD0000000  }
0x3: {  	_ = 	snop  }
0x4: {  	_ = 	snop  }
0x5: {  	_ = 	snop  }
0x6: {  	_ = 	snop  }
0x7: {  	_ = 	snop  }
__scs_overlays_trampoline_lowered:
0x8: {  	[smem:$0x3FA4] =	sst s0  }
0x9: {  	[smem:$0x3FA5] =	sst s1  }
0xa: {  	[smem:$0x3FA6] =	sst s2  }
0xb: {  	[smem:$0x3FA7] =	sst s3  }
0xc: {  	[smem:$0x3FA8] =	sst s4  }
0xd: {  	[smem:$0x3FA9] =	sst s5  }
0xe: {  	[smem:$0x3FAA] =	sst s6  }
0xf: {  	[smem:$0x3FAB] =	sst s7  }
0x10: {  	[smem:$0x3FAC] =	sst s8  }
0x11: {  	[smem:$0x3FAD] =	sst s9;
	s0 =	simm.s32 @!p0 $0x0  }
0x12: {  	s1 =	sld [smem:$0x3F93];
	s0 =	simm.s32 @p0 $0x1  }
0x13: {  	[smem:$0x3FAE] =	sst s0;
	s0 =	simm.s32 @!p1 $0x0  }
0x14: {  	s2 =	sld [smem:$0x3F92];
	s0 =	simm.s32 @p1 $0x1  }
0x15: {  	[smem:$0x3FAF] =	sst s0;
	s0 =	simm.s32 @!p2 $0x0  }
0x16: {  	s3 =	sld [smem:$0x3FDB];
	s0 =	simm.s32 @p2 $0x1  }
0x17: {  	s4 =	simm.s32 $0x1BF5;
	[smem:$0x3FB1] =	sst s0  }
0x18: {  	s0 =	sld [smem:$0x3F94];
	_ =	swait.ge [sflag:s4], $0x0  }
0x19: {  	s7 =	sld [smem:$0x3F95]  }
0x1a: {  	s8 =	sadd.s32 $0xFFFFE003, lr  }
0x1b: {  	s9 =	sadd.s32 $0xFFFFFEF7, lr;
	s5 =	simm.s32 $0xFFFFFFFF;
	p2 =	slt.u32 s8, $0xFFFFF086  }
0x1c: {  	p1 =	slt.u32 s9, $0xF7A;
	s5 =	simm.s32 @!p2 $0x0  }
0x1d: {  	s5 =	simm.s32 @p1 $0x1;
	p0 =	seq.s32 s7, s2  }
0x1e: {  	s7 =	smul.u32 @!p0 $0xF7A, s2;
	p2 =	seq.s32 @!p0 s5, $0x0  }
0x1f: {  	s9 =	smul.u32 $0xF7A, s1;
	s8 =	simm.s32 @!p0 $0x1BF5;
	p2 =	por !p2, p0  }
0x20: {  	[sflag:s8] =	ssyncset.s32 @!p0 $0xFFFFF086;
	s6 =	sadd.s32 @!p0 s3, s7;
	s7 =	simm.s32 @!p0 $0x108  }
0x21: {  	s3 =	sadd.s32 s3, s9;
	s6 =	sadd.s32 @!p0 $0x88, s6;
	s7 =	simm.s32 @p2 $0x1082  }
0x22: {  	[simem:s7], [sflag:s8] =	dma.local @!p0 [hbm:s6], $0xF7A  }
0x23: {  	s9 =	sor.u32 $0xD0000000, s2;
	s6 =	simm.s32 $0x108;
	_ =	swait.ge @!p0 [sflag:s8], $0x0  }
0x24: {  	s3 =	sadd.s32 $0x88, s3;
	s6 =	simm.s32 @!p1 $0x1082;
	[sflag:s4] =	ssyncset.s32 $0xFFFFF086  }
0x25: {  	[simem:s6], [sflag:s4] =	dma.local [hbm:s3], $0xF7A  }
0x26: {  	[smem:$0x3F95] =	sst s1;
	(tag) =	ssettag s2;
	_ =	strace s9  }
0x27: {  	s1 =	sld [smem:$0x3FA5]  }
0x28: {  	s2 =	sld [smem:$0x3FA6]  }
0x29: {  	s4 =	sld [smem:$0x3FA8]  }
0x2a: {  	p0 =	seq.s32 s5, $0x0;
	s5 =	sld [smem:$0x3FA9]  }
0x2b: {  	s6 =	sld [smem:$0x3FAA]  }
0x2c: {  	s7 =	sld [smem:$0x3FAB]  }
0x2d: {  	s3 =	simm.s32 $0x108;
	s8 =	sld [smem:$0x3FAC]  }
0x2e: {  	s3 =	simm.s32 @!p0 $0x1082;
	s9 =	sld [smem:$0x3FAD]  }
0x2f: {  	lr =	sadd.s32 s0, s3;
	s0 =	sld [smem:$0x3FA4]  }
0x30: {  	s3 =	sld [smem:$0x3FA7]  }
0x31: {  	[smem:$0x3FB0] =	sst s10  }
0x32: {  	s10 =	sld [smem:$0x3FAE];
	_ =	sdelay $0x3  }
0x33: {  	p0 =	seq.s32 s10, $0x1;
	s10 =	sld [smem:$0x3FB0];
	_ =	sdelay $0x3  }
0x34: {  	[smem:$0x3FB0] =	sst s10  }
0x35: {  	s10 =	sld [smem:$0x3FAF];
	_ =	sdelay $0x3  }
0x36: {  	p1 =	seq.s32 s10, $0x1;
	s10 =	sld [smem:$0x3FB0];
	_ =	sdelay $0x3  }
0x37: {  	[smem:$0x3FB0] =	sst s10  }
0x38: {  	s10 =	sld [smem:$0x3FB1]  }
0x39: {  	_ = 	snop;
	(pc) =	sbr.ind lr, $3  }
0x3a: {  	_ = 	snop  }
0x3b: {  	_ = 	snop  }
0x3c: {  	p2 =	seq.s32 s10, $0x1;
	s10 =	sld [smem:$0x3FB0]  }
0x3d: {  	_ =	shalt  }
0x3e: {  	_ =	shalt  }
0x3f: {  	_ =	shalt  }
0x40: {  	_ =	shalt  }
0x41: {  	_ =	shalt  }
0x42: {  	_ =	shalt  }
0x43: {  	_ =	shalt  }
0x44: {  	_ =	shalt  }
0x45: {  	_ =	shalt  }
0x46: {  	_ =	shalt  }
0x47: {  	_ =	shalt  }
0x48: {  	_ =	shalt  }
0x49: {  	_ =	shalt  }
0x4a: {  	_ =	shalt  }
0x4b: {  	_ =	shalt  }
0x4c: {  	_ =	shalt  }
0x4d: {  	_ =	shalt  }
0x4e: {  	_ =	shalt  }
0x4f: {  	_ =	shalt  }
0x50: {  	_ =	shalt  }
0x51: {  	_ =	shalt  }
0x52: {  	_ =	shalt  }
0x53: {  	_ =	shalt  }
0x54: {  	_ =	shalt  }
0x55: {  	_ =	shalt  }
0x56: {  	_ =	shalt  }
0x57: {  	_ =	shalt  }
0x58: {  	_ =	shalt  }
0x59: {  	_ =	shalt  }
0x5a: {  	_ =	shalt  }
0x5b: {  	_ =	shalt  }
0x5c: {  	_ =	shalt  }
0x5d: {  	_ =	shalt  }
0x5e: {  	_ =	shalt  }
0x5f: {  	_ =	shalt  }
0x60: {  	_ =	shalt  }
0x61: {  	_ =	shalt  }
0x62: {  	_ =	shalt  }
0x63: {  	_ =	shalt  }
0x64: {  	_ =	shalt  }
0x65: {  	_ =	shalt  }
0x66: {  	_ =	shalt  }
0x67: {  	_ =	shalt  }
0x68: {  	_ =	shalt  }
0x69: {  	_ =	shalt  }
0x6a: {  	_ =	shalt  }
0x6b: {  	_ =	shalt  }
0x6c: {  	_ =	shalt  }
0x6d: {  	_ =	shalt  }
0x6e: {  	_ =	shalt  }
0x6f: {  	_ =	shalt  }
0x70: {  	_ =	shalt  }
0x71: {  	_ =	shalt  }
0x72: {  	_ =	shalt  }
0x73: {  	_ =	shalt  }
0x74: {  	_ =	shalt  }
0x75: {  	_ =	shalt  }
0x76: {  	_ =	shalt  }
0x77: {  	_ =	shalt  }
0x78: {  	_ =	shalt  }
0x79: {  	_ =	shalt  }
0x7a: {  	_ =	shalt  }
0x7b: {  	_ =	shalt  }
0x7c: {  	_ =	shalt  }
0x7d: {  	_ =	shalt  }
0x7e: {  	_ =	shalt  }
0x7f: {  	_ =	shalt  }
0x80: {  	_ =	shalt  }
0x81: {  	_ =	shalt  }
0x82: {  	_ =	shalt  }
0x83: {  	_ =	shalt  }
0x84: {  	_ =	shalt  }
0x85: {  	_ =	shalt  }
0x86: {  	_ =	shalt  }
0x87: {  	_ =	shalt  }
.Lfunc_end0:
.L_simem_size_0:
called_computation.1_lowered:
.L_overlay_start_0:
0x88: {  	s2 =	sld [smem:$0x3FD9]  }
0x89: {  	s3 =	sld [smem:$0x3FFE];
	_ =	sdelay $0x1  }
0x8a: {  	s1 =	srdreg.scid  }
0x8b: {  	s0 =	sand.u32 $0x1, s1  }
0x8c: {  	s14 =	sshll.u32 s0, $0xA;
	s2 =	sadd.s32 s3, s2  }
0x8d: {  	s2 =	sadd.s32 s2, s14  }
0x8e: {  	[smem:$0x3FBC] =	sst s2  }
0x8f: {  	_ = 	snop  }
0x90: {  	s2 =	sld [smem:$0x3FD0];
	_ =	sdelay $0x2  }
0x91: {  	s15 =	simm.s32 $0xA;
	s4 =	simm.s32 $0x10  }
0x92: {  	[smem:s4], [sflag:s15] =	dma.local [hbm:s2], $0x1  }
0x93: {  	_ =	swait.eq [sflag:s15], $0x1  }
0x94: {  	[sflag:s15] =	ssyncset.done $0x0  }
0x95: {  	[sflag:s15] =	ssyncadd.s32 $0xFFFFFFFF  }
0x96: {  	s16 =	sld [smem:$0x11];
	(tm) =	ssettm $0x1  }
0x97: {  	s17 =	sld [smem:$0x3FFB];
	_ =	sdelay $0x3  }
0x98: {  	_ =	strace s17  }
0x99: {  	s3 =	sld [smem:$0x3FFC];
	_ =	sdelay $0x3  }
0x9a: {  	_ =	strace s3  }
0x9b: {  	s3 =	sld [smem:$0x3FFD];
	_ =	sdelay $0x3  }
0x9c: {  	_ =	strace s3  }
0x9d: {  	_ =	strace $0x8FFFFFFF  }
0x9e: {  	s18 =	sld [smem:$0x3FDB];
	_ =	sdelay $0x1  }
0x9f: {  	s19 =	simm.s32 $_scs_section_size  }
0xa0: {  	s5 =	simm.s32 $_size__tile_overlayer_lowered;
	s6 =	simm.s32 $_tile_overlayer_lowered  }
0xa1: {  	s22 =	simm.s32 $0x1BFF;
	s21 =	sshll.u32 s6, $0x1;
	s3 =	sadd.s32 s19, s18  }
0xa2: {  	s7 =	simm.s32 $0x0;
	s20 =	sshll.u32 s5, $0x1;
	s5 =	sadd.s32 s21, s3  }
0xa3: {  	[timem:s7], [sflag:s22] =	dma.local [hbm:s5], s20  }
0xa4: {  	_ =	swait.ge [sflag:s22], s20  }
0xa5: {  	s4 =	ssub.s32 $0x0, s20;
	[sflag:s22] =	ssyncset.done $0x0  }
0xa6: {  	[sflag:s22] =	ssyncadd.s32 s4;
	_ =	sdelay $0x1  }
0xa7: {  	s23 =	simm.s32 $0x1B8B  }
0xa8: {  	_ =	swait.ge [sflag:s23], $0x1  }
0xa9: {  	[sflag:s23] =	ssyncset.done $0x0  }
0xaa: {  	s25 =	simm.s32 $0x1B8E;
	s24 =	sld [smem:$0x3FFE];
	[sflag:s23] =	ssyncadd.s32 $0xFFFFFFFF  }
0xab: {  	s26 =	simm.s32 $execute0_lowered;
	[smem:$0x3FD2] =	sst s25  }
0xac: {  	s5 =	sshll.u32 s26, $0x1;
	_ =	strace $0x80000049;
	[dreg:$0x1] =	wrdreg $0xFFFFFFFF  }
0xad: {  	s28 =	simm.s32 $_size_execute0_lowered;
	s3 =	sadd.s32 s3, s5;
	[dreg:$0x0] =	wrdreg $0x0  }
0xae: {  	s5 =	sshll.u32 s28, $0x1;
	[dreg:$0x2] =	wrdreg s3  }
0xaf: {  	[dreg:$0x3] =	wrdreg s5  }
0xb0: {  	[dreg:$0x4] =	wrdreg $0xC0  }
0xb1: {  	_ =	task [dreg:s7], $0x5FFFF  }
0xb2: {  	[dreg:$0x1] =	wrdreg $0xFFFFFFFF  }
0xb3: {  	[dreg:$0x0] =	wrdreg $0x60  }
0xb4: {  	[dreg:$0x2] =	wrdreg s16  }
0xb5: {  	[dreg:$0x3] =	wrdreg s24  }
0xb6: {  	[dreg:$0x4] =	wrdreg $0xB8000  }
0xb7: {  	[dreg:$0x5] =	wrdreg $0x9  }
0xb8: {  	_ =	task.clear_ibuf [dreg:s7], $0x6FFFF;
	_ =	strace $0x90000049  }
0xb9: {  	s29 =	simm.s32 $0x9;
	_ =	strace $0x8000004B  }
0xba: {  	_ =	swait.ge [sflag:s29], $0x1  }
0xbb: {  	[sflag:s29] =	ssyncadd.s32 $0xFFFFFFFF  }
0xbc: {  	_ =	strace $0x9000004B  }
0xbd: {  	_ =	sfence  }
0xbe: {  	s30 =	sld [smem:$0x0];
	_ =	sdelay $0x2  }
0xbf: {  	s31 =	sshll.u32 s1, $0xD;
	s1 =	sshrl.u32 s1, $0x2  }
0xc0: {  	s3 =	sand.u32 $0x4000, s31;
	s1 =	sadd.s32 s1, s30  }
0xc1: {  	s0 =	sor.u32 s3, s0;
	s1 =	sshll.u32 s1, $0x11  }
0xc2: {  	s0 =	sor.u32 s1, s0  }
0xc3: {  	s0 =	sadd.s32 $0x8F2B, s0  }
0xc4: {  	[sflag:s0] =	ssyncadd.remote.s32 $0x1  }
0xc5: {  	_ =	sfence.sel $0xFFFF  }
0xc6: {  	[dreg:$0x0] =	wrdreg $0xFFFFFFFF;
	(pc) =	sbr.abs _section_cstart, $3  }
0xc7: {  	[dreg:$0x1] =	wrdreg $0xFFFFFFFF  }
0xc8: {  	_ =	task.clear_ibuf [dreg:s7], $0x2FFFF;
	_ =	strace $0x9FFFFFFF  }
0xc9: {  	(tm) =	ssettm $0x7FFFFFFF  }
tec
execute0_lowered:
.L_overlay_start_1:
0x0: {  	(tag) =	ssettag $0x1  }
0x1: {  	s0 =	rddreg [dreg:$0x0]  }
0x2: {  	s1 =	rddreg [dreg:$0x1]  }
0x3: {  	s2 =	rddreg [dreg:$0x2];
	s3 =	srdreg.scid  }
0x4: {  	s11 =	stileid.u32;
	s6 =	simm.s32 $0x0;
	s18 =	simm.s32 $0x7  }
0x5: {  	s19 =	simm.s32 $0x4000;
	s20 =	simm.s32 $0x6800;
	s21 =	simm.s32 $0x3  }
0x6: {  	s22 =	simm.s32 $0x50;
	s28 =	simm.s32 $0x2;
	s5 =	smul.u32 $0x2800, s11  }
0x7: {  	s29 =	simm.s32 $0x1;
	s30 =	simm.s32 $0x0;
	s7 =	smul.u32 $0x50000, s11  }
0x8: {  	s3 =	sand.u32 $0x1, s3;
	s4 =	sshll.u32 s11, $0x1;
	s14 =	smul.u32 $0x4E200, s11  }
0x9: {  	[smem:$0x7FF] =	sst s6;
	s9 =	sor.u32 s3, s4;
	s23 =	smul.u32 $0x28000, s3  }
0xa: {  	_ =	strace $0x8000004A;
	s8 =	ssub.s32 $0x2, s3;
	s3 =	smul.u32 $0x27100, s3  }
0xb: {  	s24 =	sshll.u32 s9, $0xB;
	s25 =	sshrl.u32 s8, $0x1;
	s13 =	smul.u32 $0x27100, s9  }
0xc: {  	s7 =	sshrl.u32 s7, $0x2;
	s12 =	smul.u32 $0x138800, s9;
	s17 =	sadd.s32 s14, s0  }
0xd: {  	s6 =	sadd.s32 s24, s1;
	s4 =	sadd.s32 s5, s23;
	s16 =	ssub.s32 s8, s25  }
0xe: {  	s31 =	sadd.s32 s3, s17;
	s23 =	simm.s32 $0x9000;
	s24 =	simm.s32 $0x6  }
0xf: {  	s25 =	simm.s32 $0x4;
	s1 =	sadd.s32 s4, s1;
	s4 =	sadd.s32 s7, s2  }
0x10: {  	s26 =	sadd.s32 $0x3200, s6;
	s15 =	sshrl.u32 s12, $0x3;
	s13 =	sadd.s32 s0, s13  }
.Ltmp0:
0x11: {  	s16 =	smax.u32 s16, $0x1;
	[dreg:$0x4] =	wrdreg s26;
	(pc) =	sbr.rel .LBB2_1-.Ltmp0, $4  }
0x12: {  	s6 =	sadd.s32 $0x2800, s4;
	s7 =	sadd.s32 $0x5000, s4;
	s8 =	sadd.s32 $0x7800, s4  }
0x13: {  	s9 =	sadd.s32 $0xA000, s4;
	s10 =	sadd.s32 $0xC800, s4;
	s11 =	sadd.s32 $0xF000, s4  }
0x14: {  	s12 =	sadd.s32 $0x11800, s4;
	s15 =	sadd.s32 s0, s15;
	s0 =	sadd.s32 $0xA00, s31  }
0x15: {  	v0 =	vimm.f32 $0.0e+00;
	s26 =	simm.s32 $0x5;
	s14 =	sadd.s32 $0x500, s15;
	s15 =	sadd.s32 $0x13200, s1  }
.LBB2_10:
0x16: {  	_ =	swait.ge [sflag:s24], $0x2800  }
0x17: {  	[sflag:s24] =	ssyncset.done $0x0  }
0x18: {  	[sflag:s24] =	ssyncadd.s32 $0xFFFFD800  }
0x19: {  	_ =	swait.ge [sflag:s25], $0x2800  }
0x1a: {  	[sflag:s25] =	ssyncset.done $0x0  }
0x1b: {  	[sflag:s25] =	ssyncadd.s32 $0xFFFFD800  }
0x1c: {  	s1 =	stileid.u32;
	_ =	swait.ge [sflag:s26], $0x2800  }
0x1d: {  	s3 =	sshrl.u32 s4, $0x3;
	s30 =	sadd.s32 $0x1, s30;
	[sflag:s26] =	ssyncset.done $0x0  }
0x1e: {  	s1 =	sshll.u32 s1, $0x6;
	p0 =	sne.s32 s30, s16;
	[sflag:s26] =	ssyncadd.s32 $0xFFFFD800  }
.Ltmp1:
0x1f: {  	s1 =	sor.u32 $0x1C07, s1;
	[bflag:$0x0] =	sbarrier.arrive $0xFFFF;
	(pc) =	sbr.rel @!p0 .LBB2_11-.Ltmp1, $4  }
0x20: {  	[hbm:s15], [sflag:s1] =	dma.local [spmem:s3], $0x2800  }
0x21: {  	_ =	swait.ge [sflag:s18], $0x2800  }
0x22: {  	[sflag:s18] =	ssyncset.done $0x0  }
0x23: {  	[sflag:s18] =	ssyncadd.s32 $0xFFFFD800  }
.LBB2_1:
0x24: {  	s1 =	simm.s32 $0x0;
	s3 =	rddreg [dreg:$0x4]  }
0x25: {  	[tilespmem:s1], [sflag:$0x7] =	stream.linear.gather [hbm4b:s3+s1], $0x3E80, $0x38;
	[tilespmem:$0x1F800] =	vst v63  }
0x26: {  	_ =	swait.ge [sflag:s18], $0x3E80  }
0x27: {  	[sflag:s18] =	ssyncset.done $0x0  }
0x28: {  	s17 =	simm.s32 $0x200;
	s3 =	simm.s32 $0x0;
	[sflag:s18] =	ssyncadd.s32 $0xFFFFC180  }
.LBB2_2:
0x29: {  	p0 =	sne.s32 s17, $0x9E00;
	[tilespmem:s3+$0x4070] =	vst v0  }
0x2a: {  	[tilespmem:s3+$0x4000] =	vst v0  }
0x2b: {  	[tilespmem:s3+$0x4010] =	vst v0  }
.Ltmp2:
0x2c: {  	[tilespmem:s3+$0x4020] =	vst v0;
	(pc) =	sbr.rel @p0 .LBB2_2-.Ltmp2, $4  }
0x2d: {  	[tilespmem:s3+$0x4030] =	vst v0  }
0x2e: {  	[tilespmem:s3+$0x4040] =	vst v0  }
0x2f: {  	[tilespmem:s3+$0x4050] =	vst v0  }
0x30: {  	[tilespmem:s3+$0x4060] =	vst v0;
	s3 =	sshra.s32 s17, $0x2;
	s17 =	sadd.s32 $0x200, s17  }
0x31: {  	[tilespmem:s3+$0x4070] =	vst v0  }
0x32: {  	[tilespmem:s3+$0x4000] =	vst v0  }
0x33: {  	[tilespmem:s3+$0x4010] =	vst v0  }
0x34: {  	[tilespmem:s3+$0x4020] =	vst v0  }
0x35: {  	[tilespmem:s3+$0x4030] =	vst v0  }
0x36: {  	[tilespmem:s3+$0x4040] =	vst v0  }
0x37: {  	[tilespmem:s3+$0x4050] =	vst v0  }
0x38: {  	[tilespmem:s3+$0x4060] =	vst v0  }
0x39: {  	[spmem:s4] =	stream.linear.scatter [tilespmem:s19], [sflag:$0x7], $0x2800, $0x38;
	[tilespmem:$0x1F800] =	vst v63  }
0x3a: {  	_ =	swait.ge [sflag:s18], $0x2800  }
0x3b: {  	[sflag:s18] =	ssyncset.done $0x0  }
0x3c: {  	[sflag:s18] =	ssyncadd.s32 $0xFFFFD800  }
0x3d: {  	[spmem:s6] =	stream.linear.scatter [tilespmem:s19], [sflag:$0x7], $0x2800, $0x38;
	[tilespmem:$0x1F800] =	vst v63  }
0x3e: {  	_ =	swait.ge [sflag:s18], $0x2800  }
0x3f: {  	[sflag:s18] =	ssyncset.done $0x0  }
0x40: {  	[sflag:s18] =	ssyncadd.s32 $0xFFFFD800  }
0x41: {  	[spmem:s7] =	stream.linear.scatter [tilespmem:s19], [sflag:$0x7], $0x2800, $0x38;
	[tilespmem:$0x1F800] =	vst v63  }
0x42: {  	_ =	swait.ge [sflag:s18], $0x2800  }
0x43: {  	[sflag:s18] =	ssyncset.done $0x0  }
0x44: {  	[sflag:s18] =	ssyncadd.s32 $0xFFFFD800  }
0x45: {  	[spmem:s8] =	stream.linear.scatter [tilespmem:s19], [sflag:$0x7], $0x2800, $0x38;
	[tilespmem:$0x1F800] =	vst v63  }
0x46: {  	_ =	swait.ge [sflag:s18], $0x2800  }
0x47: {  	[sflag:s18] =	ssyncset.done $0x0  }
0x48: {  	[sflag:s18] =	ssyncadd.s32 $0xFFFFD800  }
0x49: {  	[spmem:s9] =	stream.linear.scatter [tilespmem:s19], [sflag:$0x7], $0x2800, $0x38;
	[tilespmem:$0x1F800] =	vst v63  }
0x4a: {  	_ =	swait.ge [sflag:s18], $0x2800  }
0x4b: {  	[sflag:s18] =	ssyncset.done $0x0  }
0x4c: {  	[sflag:s18] =	ssyncadd.s32 $0xFFFFD800  }
0x4d: {  	[spmem:s10] =	stream.linear.scatter [tilespmem:s19], [sflag:$0x7], $0x2800, $0x38;
	[tilespmem:$0x1F800] =	vst v63  }
0x4e: {  	_ =	swait.ge [sflag:s18], $0x2800  }
0x4f: {  	[sflag:s18] =	ssyncset.done $0x0  }
0x50: {  	[sflag:s18] =	ssyncadd.s32 $0xFFFFD800  }
0x51: {  	[spmem:s11] =	stream.linear.scatter [tilespmem:s19], [sflag:$0x7], $0x2800, $0x38;
	[tilespmem:$0x1F800] =	vst v63  }
0x52: {  	_ =	swait.ge [sflag:s18], $0x2800  }
0x53: {  	[sflag:s18] =	ssyncset.done $0x0  }
0x54: {  	[sflag:s18] =	ssyncadd.s32 $0xFFFFD800  }
0x55: {  	[spmem:s12] =	stream.linear.scatter [tilespmem:s19], [sflag:$0x7], $0x2800, $0x38;
	[tilespmem:$0x1F800] =	vst v63  }
0x56: {  	_ =	swait.ge [sflag:s18], $0x2800  }
0x57: {  	[sflag:s18] =	ssyncset.done $0x0  }
.Ltmp3:
0x58: {  	[sflag:s18] =	ssyncadd.s32 $0xFFFFD800;
	(pc) =	sbr.rel .LBB2_4-.Ltmp3, $4  }
0x59: {  	s31 =	simm.s32 $0x0;
	[bflag:$0x0] =	sbarrier.arrive $0xFFFF  }
0x5a: {  	[tilespmem:s19], [sflag:$0x1] =	stream.linear.gather [hbm4b:s13+s31], $0x2800, $0x38;
	[tilespmem:$0x1F800] =	vst v63  }
0x5b: {  	s17 =	smov.u32 s0;
	s3 =	simm.s32 $0x0  }
0x5c: {  	[tilespmem:s20], [sflag:$0x2] =	stream.linear.gather [hbm4b:s14+s31], $0x2800, $0x38;
	[tilespmem:$0x1F800] =	vst v63  }
.LBB2_8:
0x5d: {  	_ =	swait.ge [sflag:s21], $0x2800  }
0x5e: {  	p0 =	sgt.u32 s3, $0x7A;
	[sflag:s21] =	ssyncset.done $0x0  }
0x5f: {  	s1 =	simm.s32 @!p0 $0x5;
	[sflag:s21] =	ssyncadd.s32 $0xFFFFD800  }
0x60: {  	_ =	swait.ge @!p0 [sflag:s1], $0x2800  }
0x61: {  	[sflag:s1] =	ssyncset.done @!p0 $0x0  }
0x62: {  	s5 =	simm.s32 @!p0 $0x6800;
	[sflag:s1] =	ssyncadd.s32 @!p0 $0xFFFFD800;
	s1 =	simm.s32 @!p0 $0x0  }
0x63: {  	[tilespmem:s5], [sflag:$0x2] =	stream.linear.gather @!p0 [hbm4b:s17+s1], $0x2800, $0x38;
	[tilespmem:$0x1F800] =	vst v63  }
0x64: {  	_ = 	snop  }
0x65: {  	[spmem:s2] =	stream.indirect.scatter.add.f32 [tilespmem:s23], [sflag:$0x6], $0x80, s31, s22, $0xb8;
	[tilespmem:$0x1F800] =	vst v63  }
.LBB2_9:
0x66: {  	s3 =	sadd.s32 $0x1, s3  }
0x67: {  	p0 =	sne.s32 s3, $0x7D  }
.Ltmp4:
0x68: {  	_ = 	snop;
	(pc) =	sbr.rel @!p0 .LBB2_10-.Ltmp4, $2  }
0x69: {  	_ =	sdelay $0x2  }
0x6a: {  	s17 =	sadd.s32 $0x500, s17;
	s31 =	sadd.s32 $0x80, s31  }
.LBB2_4:
0x6b: {  	s1 =	smul.u32 $0xAB, s3;
	_ =	sdelay $0x1  }
0x6c: {  	s1 =	sshrl.u32 s1, $0x9  }
0x6d: {  	s1 =	sand.u32 $0x7F, s1  }
0x6e: {  	s1 =	smul.u32 $0x3, s1;
	_ =	sdelay $0x1  }
0x6f: {  	s1 =	ssub.s32 s3, s1  }
0x70: {  	s1 =	sand.u32 $0xFF, s1  }
0x71: {  	p0 =	seq.s32 s1, $0x2  }
.Ltmp5:
0x72: {  	_ = 	snop;
	(pc) =	sbr.rel @p0 .LBB2_8-.Ltmp5, $1  }
0x73: {  	_ =	sdelay $0x3  }
0x74: {  	p0 =	seq.s32 s1, $0x1  }
.Ltmp6:
0x75: {  	_ = 	snop;
	(pc) =	sbr.rel @!p0 .LBB2_6-.Ltmp6, $1  }
0x76: {  	_ =	sdelay $0x3  }
0x77: {  	_ =	swait.ge [sflag:s28], $0x2800  }
0x78: {  	p0 =	sgt.u32 s3, $0x7A;
	[sflag:s28] =	ssyncset.done $0x0  }
0x79: {  	s1 =	simm.s32 @!p0 $0x4;
	[sflag:s28] =	ssyncadd.s32 $0xFFFFD800  }
0x7a: {  	_ =	swait.ge @!p0 [sflag:s1], $0x2800  }
.Ltmp7:
0x7b: {  	[sflag:s1] =	ssyncset.done @!p0 $0x0;
	(pc) =	sbr.rel .LBB2_9-.Ltmp7, $4  }
0x7c: {  	s5 =	simm.s32 @!p0 $0x4000;
	[sflag:s1] =	ssyncadd.s32 @!p0 $0xFFFFD800;
	s1 =	simm.s32 @!p0 $0x0  }
0x7d: {  	[tilespmem:s5], [sflag:$0x1] =	stream.linear.gather @!p0 [hbm4b:s17+s1], $0x2800, $0x38;
	[tilespmem:$0x1F800] =	vst v63  }
0x7e: {  	_ = 	snop  }
0x7f: {  	[spmem:s2] =	stream.indirect.scatter.add.f32 [tilespmem:s20], [sflag:$0x5], $0x80, s31, s22, $0xb8;
	[tilespmem:$0x1F800] =	vst v63  }
.LBB2_6:
0x80: {  	p0 =	sgt.u32 s3, $0x7A  }
0x81: {  	_ =	swait.ge [sflag:s29], $0x2800;
	p1 =	seq.s32 @!p0 s3, $0x0  }
0x82: {  	[sflag:s29] =	ssyncset.done $0x0;
	p1 =	por p1, p0  }
0x83: {  	[sflag:s29] =	ssyncadd.s32 $0xFFFFD800;
	s1 =	simm.s32 @!p1 $0x6  }
0x84: {  	_ =	swait.ge @!p1 [sflag:s1], $0x2800  }
.Ltmp8:
0x85: {  	[sflag:s1] =	ssyncset.done @!p1 $0x0;
	(pc) =	sbr.rel .LBB2_9-.Ltmp8, $4  }
0x86: {  	s5 =	simm.s32 @!p0 $0x9000;
	[sflag:s1] =	ssyncadd.s32 @!p1 $0xFFFFD800;
	s1 =	simm.s32 @!p0 $0x0  }
0x87: {  	[tilespmem:s5], [sflag:$0x3] =	stream.linear.gather @!p0 [hbm4b:s17+s1], $0x2800, $0x38;
	[tilespmem:$0x1F800] =	vst v63  }
0x88: {  	_ = 	snop  }
0x89: {  	[spmem:s2] =	stream.indirect.scatter.add.f32 [tilespmem:s19], [sflag:$0x4], $0x80, s31, s22, $0xb8;
	[tilespmem:$0x1F800] =	vst v63  }
.LBB2_11:
0x8a: {  	_ =	sfence.sel $0x180000  }
0x8b: {  	[bflag:$0x0] =	sbarrier.arrive $0xFFFF  }
0x8c: {  	_ =	strace $0x9000004A  }
0x8d: {  	s0 =	stileid.u32;
	[bflag:$0x2] =	sbarrier.arrive $0xFFFF  }
0x8e: {  	p0 =	sne.s32 s0, $0x0;
	s0 =	rddreg [dreg:$0x3]  }
0x8f: {  	s0 =	sadd.s32 @!p0 $0x100000, s0  }
0x90: {  	[sflag:s0] =	ssyncadd.tile.s32 @!p0 $0x1;
	_ =	shalt  }
.Lfunc_end2:
_tile_overlayer_lowered:
.L_overlay_start_2:
0x91: {  	(tag) =	ssettag $0x2  }
0x92: {  	s0 =	rddreg [dreg:$0x0];
	s2 =	stileid.u32  }
0x93: {  	s1 =	rddreg [dreg:$0x1];
	p0 =	sne.s32 s2, $0x0  }
0x94: {  	s3 =	rddreg [dreg:$0x2];
	[bflag:$0x3] =	sbarrier.arrive $0xFFFF;
	s2 =	simm.s32 @!p0 $0x1C07  }
0x95: {  	[timem:s3], [sflag:s2] =	dma.local @!p0 [hbm:s0], s1  }
0x96: {  	s0 =	simm.s32 @!p0 $0x7  }
0x97: {  	_ =	swait.ge @!p0 [sflag:s0], s1  }
0x98: {  	s1 =	ssub.s32 @!p0 $0x0, s1;
	[sflag:s0] =	ssyncset.done @!p0 $0x0  }
0x99: {  	[sflag:s0] =	ssyncadd.s32 @!p0 s1  }
0x9a: {  	[bflag:$0x3] =	sbarrier.arrive $0xFFFF  }
0x9b: {  	_ =	shalt  }

// kernel: kernel.8.cloned.1.call-start
scs
__scs_entry_jumppad:
0x0: {  	(pc) =	sbr.rel $0x88, $3  }
0x1: {  	(tag) =	ssettag $0x0;
	lr =	simm.s32 $0x1  }
0x2: {  	[smem:$0x3F95] =	sst lr;
	_ =	strace $0xD0000000  }
0x3: {  	_ = 	snop  }
0x4: {  	_ = 	snop  }
0x5: {  	_ = 	snop  }
0x6: {  	_ = 	snop  }
0x7: {  	_ = 	snop  }
__scs_overlays_trampoline_lowered:
0x8: {  	[smem:$0x3FA4] =	sst s0  }
0x9: {  	[smem:$0x3FA5] =	sst s1  }
0xa: {  	[smem:$0x3FA6] =	sst s2  }
0xb: {  	[smem:$0x3FA7] =	sst s3  }
0xc: {  	[smem:$0x3FA8] =	sst s4  }
0xd: {  	[smem:$0x3FA9] =	sst s5  }
0xe: {  	[smem:$0x3FAA] =	sst s6  }
0xf: {  	[smem:$0x3FAB] =	sst s7  }
0x10: {  	[smem:$0x3FAC] =	sst s8  }
0x11: {  	[smem:$0x3FAD] =	sst s9;
	s0 =	simm.s32 @!p0 $0x0  }
0x12: {  	s1 =	sld [smem:$0x3F93];
	s0 =	simm.s32 @p0 $0x1  }
0x13: {  	[smem:$0x3FAE] =	sst s0;
	s0 =	simm.s32 @!p1 $0x0  }
0x14: {  	s2 =	sld [smem:$0x3F92];
	s0 =	simm.s32 @p1 $0x1  }
0x15: {  	[smem:$0x3FAF] =	sst s0;
	s0 =	simm.s32 @!p2 $0x0  }
0x16: {  	s3 =	sld [smem:$0x3FDB];
	s0 =	simm.s32 @p2 $0x1  }
0x17: {  	s4 =	simm.s32 $0x1BF5;
	[smem:$0x3FB1] =	sst s0  }
0x18: {  	s0 =	sld [smem:$0x3F94];
	_ =	swait.ge [sflag:s4], $0x0  }
0x19: {  	s7 =	sld [smem:$0x3F95]  }
0x1a: {  	s8 =	sadd.s32 $0xFFFFE003, lr  }
0x1b: {  	s9 =	sadd.s32 $0xFFFFFEF7, lr;
	s5 =	simm.s32 $0xFFFFFFFF;
	p2 =	slt.u32 s8, $0xFFFFF086  }
0x1c: {  	p1 =	slt.u32 s9, $0xF7A;
	s5 =	simm.s32 @!p2 $0x0  }
0x1d: {  	s5 =	simm.s32 @p1 $0x1;
	p0 =	seq.s32 s7, s2  }
0x1e: {  	s7 =	smul.u32 @!p0 $0xF7A, s2;
	p2 =	seq.s32 @!p0 s5, $0x0  }
0x1f: {  	s9 =	smul.u32 $0xF7A, s1;
	s8 =	simm.s32 @!p0 $0x1BF5;
	p2 =	por !p2, p0  }
0x20: {  	[sflag:s8] =	ssyncset.s32 @!p0 $0xFFFFF086;
	s6 =	sadd.s32 @!p0 s3, s7;
	s7 =	simm.s32 @!p0 $0x108  }
0x21: {  	s3 =	sadd.s32 s3, s9;
	s6 =	sadd.s32 @!p0 $0x88, s6;
	s7 =	simm.s32 @p2 $0x1082  }
0x22: {  	[simem:s7], [sflag:s8] =	dma.local @!p0 [hbm:s6], $0xF7A  }
0x23: {  	s9 =	sor.u32 $0xD0000000, s2;
	s6 =	simm.s32 $0x108;
	_ =	swait.ge @!p0 [sflag:s8], $0x0  }
0x24: {  	s3 =	sadd.s32 $0x88, s3;
	s6 =	simm.s32 @!p1 $0x1082;
	[sflag:s4] =	ssyncset.s32 $0xFFFFF086  }
0x25: {  	[simem:s6], [sflag:s4] =	dma.local [hbm:s3], $0xF7A  }
0x26: {  	[smem:$0x3F95] =	sst s1;
	(tag) =	ssettag s2;
	_ =	strace s9  }
0x27: {  	s1 =	sld [smem:$0x3FA5]  }
0x28: {  	s2 =	sld [smem:$0x3FA6]  }
0x29: {  	s4 =	sld [smem:$0x3FA8]  }
0x2a: {  	p0 =	seq.s32 s5, $0x0;
	s5 =	sld [smem:$0x3FA9]  }
0x2b: {  	s6 =	sld [smem:$0x3FAA]  }
0x2c: {  	s7 =	sld [smem:$0x3FAB]  }
0x2d: {  	s3 =	simm.s32 $0x108;
	s8 =	sld [smem:$0x3FAC]  }
0x2e: {  	s3 =	simm.s32 @!p0 $0x1082;
	s9 =	sld [smem:$0x3FAD]  }
0x2f: {  	lr =	sadd.s32 s0, s3;
	s0 =	sld [smem:$0x3FA4]  }
0x30: {  	s3 =	sld [smem:$0x3FA7]  }
0x31: {  	[smem:$0x3FB0] =	sst s10  }
0x32: {  	s10 =	sld [smem:$0x3FAE];
	_ =	sdelay $0x3  }
0x33: {  	p0 =	seq.s32 s10, $0x1;
	s10 =	sld [smem:$0x3FB0];
	_ =	sdelay $0x3  }
0x34: {  	[smem:$0x3FB0] =	sst s10  }
0x35: {  	s10 =	sld [smem:$0x3FAF];
	_ =	sdelay $0x3  }
0x36: {  	p1 =	seq.s32 s10, $0x1;
	s10 =	sld [smem:$0x3FB0];
	_ =	sdelay $0x3  }
0x37: {  	[smem:$0x3FB0] =	sst s10  }
0x38: {  	s10 =	sld [smem:$0x3FB1]  }
0x39: {  	_ = 	snop;
	(pc) =	sbr.ind lr, $3  }
0x3a: {  	_ = 	snop  }
0x3b: {  	_ = 	snop  }
0x3c: {  	p2 =	seq.s32 s10, $0x1;
	s10 =	sld [smem:$0x3FB0]  }
0x3d: {  	_ =	shalt  }
0x3e: {  	_ =	shalt  }
0x3f: {  	_ =	shalt  }
0x40: {  	_ =	shalt  }
0x41: {  	_ =	shalt  }
0x42: {  	_ =	shalt  }
0x43: {  	_ =	shalt  }
0x44: {  	_ =	shalt  }
0x45: {  	_ =	shalt  }
0x46: {  	_ =	shalt  }
0x47: {  	_ =	shalt  }
0x48: {  	_ =	shalt  }
0x49: {  	_ =	shalt  }
0x4a: {  	_ =	shalt  }
0x4b: {  	_ =	shalt  }
0x4c: {  	_ =	shalt  }
0x4d: {  	_ =	shalt  }
0x4e: {  	_ =	shalt  }
0x4f: {  	_ =	shalt  }
0x50: {  	_ =	shalt  }
0x51: {  	_ =	shalt  }
0x52: {  	_ =	shalt  }
0x53: {  	_ =	shalt  }
0x54: {  	_ =	shalt  }
0x55: {  	_ =	shalt  }
0x56: {  	_ =	shalt  }
0x57: {  	_ =	shalt  }
0x58: {  	_ =	shalt  }
0x59: {  	_ =	shalt  }
0x5a: {  	_ =	shalt  }
0x5b: {  	_ =	shalt  }
0x5c: {  	_ =	shalt  }
0x5d: {  	_ =	shalt  }
0x5e: {  	_ =	shalt  }
0x5f: {  	_ =	shalt  }
0x60: {  	_ =	shalt  }
0x61: {  	_ =	shalt  }
0x62: {  	_ =	shalt  }
0x63: {  	_ =	shalt  }
0x64: {  	_ =	shalt  }
0x65: {  	_ =	shalt  }
0x66: {  	_ =	shalt  }
0x67: {  	_ =	shalt  }
0x68: {  	_ =	shalt  }
0x69: {  	_ =	shalt  }
0x6a: {  	_ =	shalt  }
0x6b: {  	_ =	shalt  }
0x6c: {  	_ =	shalt  }
0x6d: {  	_ =	shalt  }
0x6e: {  	_ =	shalt  }
0x6f: {  	_ =	shalt  }
0x70: {  	_ =	shalt  }
0x71: {  	_ =	shalt  }
0x72: {  	_ =	shalt  }
0x73: {  	_ =	shalt  }
0x74: {  	_ =	shalt  }
0x75: {  	_ =	shalt  }
0x76: {  	_ =	shalt  }
0x77: {  	_ =	shalt  }
0x78: {  	_ =	shalt  }
0x79: {  	_ =	shalt  }
0x7a: {  	_ =	shalt  }
0x7b: {  	_ =	shalt  }
0x7c: {  	_ =	shalt  }
0x7d: {  	_ =	shalt  }
0x7e: {  	_ =	shalt  }
0x7f: {  	_ =	shalt  }
0x80: {  	_ =	shalt  }
0x81: {  	_ =	shalt  }
0x82: {  	_ =	shalt  }
0x83: {  	_ =	shalt  }
0x84: {  	_ =	shalt  }
0x85: {  	_ =	shalt  }
0x86: {  	_ =	shalt  }
0x87: {  	_ =	shalt  }
.Lfunc_end0:
.L_simem_size_0:
called_computation_lowered:
.L_overlay_start_0:
0x88: {  	s2 =	sld [smem:$0x3FD9]  }
0x89: {  	s3 =	sld [smem:$0x3FFE];
	_ =	sdelay $0x1  }
0x8a: {  	s1 =	srdreg.scid  }
0x8b: {  	s0 =	sand.u32 $0x1, s1  }
0x8c: {  	s14 =	sshll.u32 s0, $0xA;
	s2 =	sadd.s32 s3, s2  }
0x8d: {  	s2 =	sadd.s32 s2, s14  }
0x8e: {  	[smem:$0x3FBC] =	sst s2  }
0x8f: {  	_ = 	snop  }
0x90: {  	s2 =	sld [smem:$0x3FD0];
	_ =	sdelay $0x2  }
0x91: {  	s15 =	simm.s32 $0xA;
	s4 =	simm.s32 $0x10  }
0x92: {  	[smem:s4], [sflag:s15] =	dma.local [hbm:s2], $0x1  }
0x93: {  	_ =	swait.eq [sflag:s15], $0x1  }
0x94: {  	[sflag:s15] =	ssyncset.done $0x0  }
0x95: {  	s16 =	sld [smem:$0x10];
	[sflag:s15] =	ssyncadd.s32 $0xFFFFFFFF  }
0x96: {  	s17 =	sld [smem:$0x11];
	(tm) =	ssettm $0x1  }
0x97: {  	s18 =	sld [smem:$0x3FFB];
	_ =	sdelay $0x3  }
0x98: {  	_ =	strace s18  }
0x99: {  	s4 =	sld [smem:$0x3FFC];
	_ =	sdelay $0x3  }
0x9a: {  	_ =	strace s4  }
0x9b: {  	s4 =	sld [smem:$0x3FFD];
	_ =	sdelay $0x3  }
0x9c: {  	_ =	strace s4  }
0x9d: {  	_ =	strace $0x8FFFFFFF  }
0x9e: {  	s19 =	sld [smem:$0x3FDB];
	_ =	sdelay $0x1  }
0x9f: {  	s5 =	simm.s32 $_scs_section_size  }
0xa0: {  	s6 =	simm.s32 $_size__tile_overlayer_lowered;
	s7 =	simm.s32 $_tile_overlayer_lowered  }
0xa1: {  	s22 =	simm.s32 $0x1BFF;
	s21 =	sshll.u32 s7, $0x1;
	s4 =	sadd.s32 s5, s19  }
0xa2: {  	s8 =	simm.s32 $0x0;
	s20 =	sshll.u32 s6, $0x1;
	s6 =	sadd.s32 s21, s4  }
0xa3: {  	[timem:s8], [sflag:s22] =	dma.local [hbm:s6], s20  }
0xa4: {  	_ =	swait.ge [sflag:s22], s20  }
0xa5: {  	s5 =	ssub.s32 $0x0, s20;
	[sflag:s22] =	ssyncset.done $0x0  }
0xa6: {  	[sflag:s22] =	ssyncadd.s32 s5;
	_ =	sdelay $0x1  }
0xa7: {  	s23 =	simm.s32 $0x1B8B  }
0xa8: {  	_ =	swait.ge [sflag:s23], $0x1  }
0xa9: {  	[sflag:s23] =	ssyncset.done $0x0  }
0xaa: {  	s25 =	simm.s32 $0x1B8E;
	s24 =	sld [smem:$0x3FFE];
	[sflag:s23] =	ssyncadd.s32 $0xFFFFFFFF  }
0xab: {  	s26 =	simm.s32 $execute0_lowered;
	[smem:$0x3FD2] =	sst s25  }
0xac: {  	s6 =	sshll.u32 s26, $0x1;
	_ =	strace $0x80000046;
	[dreg:$0x1] =	wrdreg $0xFFFFFFFF  }
0xad: {  	s28 =	simm.s32 $_size_execute0_lowered;
	s4 =	sadd.s32 s4, s6;
	[dreg:$0x0] =	wrdreg $0x0  }
0xae: {  	s6 =	sshll.u32 s28, $0x1;
	[dreg:$0x2] =	wrdreg s4  }
0xaf: {  	[dreg:$0x3] =	wrdreg s6  }
0xb0: {  	[dreg:$0x4] =	wrdreg $0xC0  }
0xb1: {  	_ =	task [dreg:s8], $0x5FFFF  }
0xb2: {  	[dreg:$0x1] =	wrdreg $0xFFFFFFFF  }
0xb3: {  	[dreg:$0x0] =	wrdreg $0x60  }
0xb4: {  	[dreg:$0x2] =	wrdreg s16  }
0xb5: {  	[dreg:$0x3] =	wrdreg s17  }
0xb6: {  	[dreg:$0x4] =	wrdreg s24  }
0xb7: {  	[dreg:$0x5] =	wrdreg $0x9  }
0xb8: {  	_ =	task.clear_ibuf [dreg:s8], $0x6FFFF;
	_ =	strace $0x90000046  }
0xb9: {  	s29 =	simm.s32 $0x9;
	_ =	strace $0x80000048  }
0xba: {  	_ =	swait.ge [sflag:s29], $0x1  }
0xbb: {  	[sflag:s29] =	ssyncadd.s32 $0xFFFFFFFF  }
0xbc: {  	_ =	strace $0x90000048  }
0xbd: {  	_ =	sfence  }
0xbe: {  	s30 =	sld [smem:$0x0];
	_ =	sdelay $0x2  }
0xbf: {  	s31 =	sshll.u32 s1, $0xD;
	s1 =	sshrl.u32 s1, $0x2  }
0xc0: {  	s3 =	sand.u32 $0x4000, s31;
	s1 =	sadd.s32 s1, s30  }
0xc1: {  	s0 =	sor.u32 s3, s0;
	s1 =	sshll.u32 s1, $0x11  }
0xc2: {  	s0 =	sor.u32 s1, s0  }
0xc3: {  	s0 =	sadd.s32 $0x8F2B, s0  }
0xc4: {  	[sflag:s0] =	ssyncadd.remote.s32 $0x1  }
0xc5: {  	_ =	sfence.sel $0xFFFF  }
0xc6: {  	[dreg:$0x0] =	wrdreg $0xFFFFFFFF;
	(pc) =	sbr.abs _section_cstart, $3  }
0xc7: {  	[dreg:$0x1] =	wrdreg $0xFFFFFFFF  }
0xc8: {  	_ =	task.clear_ibuf [dreg:s8], $0x2FFFF;
	_ =	strace $0x9FFFFFFF  }
0xc9: {  	(tm) =	ssettm $0x7FFFFFFF  }
tec
execute0_lowered:
.L_overlay_start_1:
0x0: {  	(tag) =	ssettag $0x1  }
0x1: {  	s1 =	rddreg [dreg:$0x0]  }
0x2: {  	s2 =	rddreg [dreg:$0x1]  }
0x3: {  	s0 =	rddreg [dreg:$0x2]  }
0x4: {  	s4 =	simm.s32 $0x0;
	s3 =	srdreg.scid;
	s7 =	stileid.u32  }
0x5: {  	s10 =	simm.s32 $0xD;
	s12 =	simm.s32 $0x50;
	s13 =	simm.s32 $0x8000  }
0x6: {  	s14 =	simm.s32 $0xF800;
	s16 =	simm.s32 $0xA800;
	s18 =	simm.s32 $0x12000  }
0x7: {  	s19 =	simm.s32 $0x3;
	s20 =	simm.s32 $0x6;
	s21 =	simm.s32 $0xD000  }
0x8: {  	s22 =	simm.s32 $0x14800;
	s28 =	simm.s32 $0x8;
	s29 =	simm.s32 $0xB  }
0x9: {  	s30 =	simm.s32 $0x2;
	s31 =	simm.s32 $0x5;
	s15 =	simm.s32 $0x0  }
0xa: {  	[smem:$0x7FF] =	sst s4;
	s3 =	sand.u32 $0x1, s3;
	s5 =	sshll.u32 s7, $0xC  }
0xb: {  	s7 =	smul.u32 $0x4E200, s7;
	_ =	strace $0x80000047;
	s6 =	sshll.u32 s3, $0xB  }
0xc: {  	s8 =	ssub.s32 $0x2, s3;
	s3 =	smul.u32 $0x27100, s3;
	s5 =	sor.u32 s6, s5  }
0xd: {  	s23 =	sshrl.u32 s8, $0x1;
	s5 =	sadd.s32 s5, s0;
	s0 =	sadd.s32 s7, s0  }
0xe: {  	s6 =	ssub.s32 s8, s23;
	s24 =	sadd.s32 $0x13200, s5;
	s5 =	sadd.s32 $0x3200, s5  }
.Ltmp0:
0xf: {  	s0 =	sadd.s32 s3, s0;
	[dreg:$0x4] =	wrdreg s24;
	(pc) =	sbr.rel .LBB2_1-.Ltmp0, $4  }
0x10: {  	s25 =	smax.u32 s6, $0x1;
	s3 =	simm.s32 $0x4;
	[dreg:$0x5] =	wrdreg s5  }
0x11: {  	[dreg:$0x6] =	wrdreg s25;
	s26 =	sadd.s32 $0x23200, s0;
	s0 =	sadd.s32 $0x505200, s0  }
0x12: {  	s24 =	simm.s32 $0xC;
	s25 =	simm.s32 $0x7;
	[dreg:$0x7] =	wrdreg s26  }
0x13: {  	[dreg:$0x8] =	wrdreg s0;
	s26 =	simm.s32 $0xA;
	s0 =	simm.s32 $0x1  }
.LBB2_8:
0x14: {  	s5 =	simm.s32 $0x9  }
0x15: {  	_ =	swait.ge [sflag:s5], $0x2800  }
0x16: {  	[sflag:s5] =	ssyncset.done $0x0  }
0x17: {  	[sflag:s5] =	ssyncadd.s32 $0xFFFFD800  }
0x18: {  	_ =	swait.ge [sflag:s24], $0x2800  }
0x19: {  	[sflag:s24] =	ssyncset.done $0x0  }
0x1a: {  	[sflag:s24] =	ssyncadd.s32 $0xFFFFD800  }
0x1b: {  	_ =	swait.ge [sflag:s25], $0x2800  }
0x1c: {  	[sflag:s25] =	ssyncset.done $0x0  }
0x1d: {  	[sflag:s25] =	ssyncadd.s32 $0xFFFFD800  }
0x1e: {  	_ =	swait.ge [sflag:s26], $0x2800  }
0x1f: {  	[sflag:s26] =	ssyncset.done $0x0  }
0x20: {  	[sflag:s26] =	ssyncadd.s32 $0xFFFFD800  }
0x21: {  	_ =	swait.ge [sflag:s28], $0x2800  }
0x22: {  	[sflag:s28] =	ssyncset.done $0x0  }
0x23: {  	[sflag:s28] =	ssyncadd.s32 $0xFFFFD800  }
0x24: {  	_ =	swait.ge [sflag:s29], $0x2800  }
0x25: {  	s15 =	sadd.s32 $0x1, s15;
	s23 =	rddreg [dreg:$0x6]  }
0x26: {  	p0 =	sne.s32 s15, s23  }
.Ltmp1:
0x27: {  	_ = 	snop;
	(pc) =	sbr.rel @!p0 .LBB2_9-.Ltmp1, $3  }
0x28: {  	_ =	sdelay $0x1  }
0x29: {  	[sflag:s29] =	ssyncset.done $0x0  }
0x2a: {  	[sflag:s29] =	ssyncadd.s32 $0xFFFFD800  }
.LBB2_1:
0x2b: {  	s5 =	rddreg [dreg:$0x4]  }
0x2c: {  	[tilespmem:s4], [sflag:$0xD] =	stream.linear.gather [hbm4b:s5+s4], $0x3E80, $0x38;
	[tilespmem:$0x17000] =	vst v63  }
0x2d: {  	_ =	swait.ge [sflag:s10], $0x3E80  }
0x2e: {  	[sflag:s10] =	ssyncset.done $0x0  }
0x2f: {  	s6 =	simm.s32 $0x4000;
	s11 =	rddreg [dreg:$0x5];
	[sflag:s10] =	ssyncadd.s32 $0xFFFFC180  }
0x30: {  	[tilespmem:s6], [sflag:$0xD] =	stream.linear.gather [hbm4b:s11+s4], $0x3E80, $0x38;
	[tilespmem:$0x17000] =	vst v63  }
0x31: {  	_ =	swait.ge [sflag:s10], $0x3E80  }
0x32: {  	[sflag:s10] =	ssyncset.done $0x0  }
0x33: {  	[sflag:s10] =	ssyncadd.s32 $0xFFFFC180  }
0x34: {  	[tilespmem:s13], [sflag:$0x1] =	stream.indirect.gather [hbm4b:s1+s12], $0x80, s4, s12, $0xb8;
	[tilespmem:$0x17000] =	vst v63  }
0x35: {  	_ = 	snop  }
0x36: {  	[tilespmem:s14], [sflag:$0x4] =	stream.indirect.gather [hbm4b:s2+s12], $0x80, s6, s12, $0xb8;
	[tilespmem:$0x17000] =	vst v63  }
.Ltmp2:
0x37: {  	_ = 	snop;
	(pc) =	sbr.rel .LBB2_2-.Ltmp2, $4  }
0x38: {  	s17 =	simm.s32 $0x80;
	s23 =	simm.s32 $0x4080;
	s9 =	rddreg [dreg:$0x8]  }
0x39: {  	[tilespmem:s16], [sflag:$0x2] =	stream.indirect.gather [hbm4b:s1+s12], $0x80, s17, s12, $0xb8;
	[tilespmem:$0x17000] =	vst v63  }
0x3a: {  	s7 =	simm.s32 $0x0;
	s8 =	rddreg [dreg:$0x7];
	s6 =	simm.s32 $0x0  }
0x3b: {  	[tilespmem:s18], [sflag:$0x5] =	stream.indirect.gather [hbm4b:s2+s12], $0x80, s23, s12, $0xb8;
	[tilespmem:$0x17000] =	vst v63  }
.LBB2_6:
0x3c: {  	_ =	swait.ge [sflag:s19], $0x2800  }
0x3d: {  	[sflag:s19] =	ssyncset.done $0x0  }
0x3e: {  	[sflag:s19] =	ssyncadd.s32 $0xFFFFD800  }
0x3f: {  	_ =	swait.ge [sflag:s20], $0x2800  }
0x40: {  	p0 =	sgt.u32 s7, $0x7A;
	[sflag:s20] =	ssyncset.done $0x0  }
0x41: {  	s5 =	simm.s32 @!p0 $0x8;
	[sflag:s20] =	ssyncadd.s32 $0xFFFFD800  }
0x42: {  	_ =	swait.ge @!p0 [sflag:s5], $0x2800  }
0x43: {  	[sflag:s5] =	ssyncset.done @!p0 $0x0  }
0x44: {  	[sflag:s5] =	ssyncadd.s32 @!p0 $0xFFFFD800;
	s5 =	simm.s32 @!p0 $0xB  }
0x45: {  	_ =	swait.ge @!p0 [sflag:s5], $0x2800  }
0x46: {  	[sflag:s5] =	ssyncset.done @!p0 $0x0  }
0x47: {  	[sflag:s5] =	ssyncadd.s32 @!p0 $0xFFFFD800;
	s5 =	sshra.s32 @!p0 s6, $0x2  }
0x48: {  	s17 =	simm.s32 @!p0 $0x50;
	s23 =	simm.s32 @!p0 $0xA800;
	s11 =	sadd.s32 @!p0 $0x100, s5  }
0x49: {  	[tilespmem:s23], [sflag:$0x2] =	stream.indirect.gather @!p0 [hbm4b:s1+s17], $0x80, s11, s17, $0xb8;
	[tilespmem:$0x17000] =	vst v63  }
0x4a: {  	s5 =	sadd.s32 @!p0 $0x4100, s5;
	s11 =	simm.s32 @!p0 $0x12000  }
0x4b: {  	[tilespmem:s11], [sflag:$0x5] =	stream.indirect.gather @!p0 [hbm4b:s2+s17], $0x80, s5, s17, $0xb8;
	[tilespmem:$0x17000] =	vst v63  }
0x4c: {  	_ = 	snop  }
0x4d: {  	[hbm4b:s8+s4] =	stream.linear.scatter [tilespmem:s21], [sflag:$0x9], $0x2800, $0x38;
	[tilespmem:$0x17000] =	vst v63  }
0x4e: {  	_ = 	snop  }
0x4f: {  	[hbm4b:s9+s4] =	stream.linear.scatter [tilespmem:s22], [sflag:$0xC], $0x2800, $0x38;
	[tilespmem:$0x17000] =	vst v63  }
.LBB2_7:
0x50: {  	s6 =	sadd.s32 $0x200, s6  }
0x51: {  	p0 =	sne.s32 s6, $0xFA00  }
.Ltmp3:
0x52: {  	_ = 	snop;
	(pc) =	sbr.rel @!p0 .LBB2_8-.Ltmp3, $2  }
0x53: {  	_ =	sdelay $0x2  }
0x54: {  	s7 =	sadd.s32 $0x1, s7;
	s8 =	sadd.s32 $0x500, s8;
	s9 =	sadd.s32 $0x500, s9  }
.LBB2_2:
0x55: {  	s11 =	smul.u32 $0xAB, s7;
	_ =	sdelay $0x1  }
0x56: {  	s11 =	sshrl.u32 s11, $0x9  }
0x57: {  	s11 =	sand.u32 $0x7F, s11  }
0x58: {  	s11 =	smul.u32 $0x3, s11;
	_ =	sdelay $0x1  }
0x59: {  	s11 =	ssub.s32 s7, s11  }
0x5a: {  	s11 =	sand.u32 $0xFF, s11  }
0x5b: {  	p0 =	seq.s32 s11, $0x2  }
.Ltmp4:
0x5c: {  	_ = 	snop;
	(pc) =	sbr.rel @p0 .LBB2_6-.Ltmp4, $1  }
0x5d: {  	_ =	sdelay $0x3  }
0x5e: {  	p0 =	seq.s32 s11, $0x1  }
.Ltmp5:
0x5f: {  	_ = 	snop;
	(pc) =	sbr.rel @!p0 .LBB2_4-.Ltmp5, $1  }
0x60: {  	_ =	sdelay $0x3  }
0x61: {  	_ =	swait.ge [sflag:s30], $0x2800  }
0x62: {  	[sflag:s30] =	ssyncset.done $0x0  }
0x63: {  	[sflag:s30] =	ssyncadd.s32 $0xFFFFD800  }
0x64: {  	_ =	swait.ge [sflag:s31], $0x2800  }
0x65: {  	p0 =	sgt.u32 s7, $0x7A;
	[sflag:s31] =	ssyncset.done $0x0  }
0x66: {  	s5 =	simm.s32 @!p0 $0x7;
	[sflag:s31] =	ssyncadd.s32 $0xFFFFD800  }
0x67: {  	_ =	swait.ge @!p0 [sflag:s5], $0x2800  }
0x68: {  	[sflag:s5] =	ssyncset.done @!p0 $0x0  }
0x69: {  	[sflag:s5] =	ssyncadd.s32 @!p0 $0xFFFFD800;
	s5 =	simm.s32 @!p0 $0xA  }
0x6a: {  	_ =	swait.ge @!p0 [sflag:s5], $0x2800  }
0x6b: {  	[sflag:s5] =	ssyncset.done @!p0 $0x0  }
0x6c: {  	[sflag:s5] =	ssyncadd.s32 @!p0 $0xFFFFD800;
	s5 =	sshra.s32 @!p0 s6, $0x2  }
0x6d: {  	s17 =	simm.s32 @!p0 $0x50;
	s23 =	simm.s32 @!p0 $0x8000;
	s11 =	sadd.s32 @!p0 $0x100, s5  }
0x6e: {  	[tilespmem:s23], [sflag:$0x1] =	stream.indirect.gather @!p0 [hbm4b:s1+s17], $0x80, s11, s17, $0xb8;
	[tilespmem:$0x17000] =	vst v63  }
0x6f: {  	s5 =	sadd.s32 @!p0 $0x4100, s5;
	s11 =	simm.s32 @!p0 $0xF800  }
0x70: {  	[tilespmem:s11], [sflag:$0x4] =	stream.indirect.gather @!p0 [hbm4b:s2+s17], $0x80, s5, s17, $0xb8;
	[tilespmem:$0x17000] =	vst v63  }
.Ltmp6:
0x71: {  	_ = 	snop;
	(pc) =	sbr.rel .LBB2_7-.Ltmp6, $4  }
0x72: {  	_ = 	snop  }
0x73: {  	[hbm4b:s8+s4] =	stream.linear.scatter [tilespmem:s16], [sflag:$0x8], $0x2800, $0x38;
	[tilespmem:$0x17000] =	vst v63  }
0x74: {  	_ = 	snop  }
0x75: {  	[hbm4b:s9+s4] =	stream.linear.scatter [tilespmem:s18], [sflag:$0xB], $0x2800, $0x38;
	[tilespmem:$0x17000] =	vst v63  }
.LBB2_4:
0x76: {  	_ =	swait.ge [sflag:s0], $0x2800  }
0x77: {  	[sflag:s0] =	ssyncset.done $0x0  }
0x78: {  	p0 =	sgt.u32 s7, $0x7A;
	[sflag:s0] =	ssyncadd.s32 $0xFFFFD800  }
0x79: {  	p1 =	seq.s32 @!p0 s6, $0x0;
	_ =	swait.ge [sflag:s3], $0x2800  }
0x7a: {  	p1 =	por p1, p0;
	[sflag:s3] =	ssyncset.done $0x0  }
0x7b: {  	s11 =	simm.s32 @!p1 $0x9;
	[sflag:s3] =	ssyncadd.s32 $0xFFFFD800  }
0x7c: {  	_ =	swait.ge @!p1 [sflag:s11], $0x2800  }
0x7d: {  	[sflag:s11] =	ssyncset.done @!p1 $0x0  }
0x7e: {  	[sflag:s11] =	ssyncadd.s32 @!p1 $0xFFFFD800;
	s11 =	simm.s32 @!p1 $0xC  }
0x7f: {  	_ =	swait.ge @!p1 [sflag:s11], $0x2800  }
0x80: {  	[sflag:s11] =	ssyncset.done @!p1 $0x0  }
0x81: {  	[sflag:s11] =	ssyncadd.s32 @!p1 $0xFFFFD800;
	s11 =	sshra.s32 @!p0 s6, $0x2  }
0x82: {  	s17 =	simm.s32 @!p0 $0x50;
	s23 =	simm.s32 @!p0 $0xD000;
	s5 =	sadd.s32 @!p0 $0x100, s11  }
0x83: {  	[tilespmem:s23], [sflag:$0x3] =	stream.indirect.gather @!p0 [hbm4b:s1+s17], $0x80, s5, s17, $0xb8;
	[tilespmem:$0x17000] =	vst v63  }
0x84: {  	s5 =	sadd.s32 @!p0 $0x4100, s11;
	s11 =	simm.s32 @!p0 $0x14800  }
0x85: {  	[tilespmem:s11], [sflag:$0x6] =	stream.indirect.gather @!p0 [hbm4b:s2+s17], $0x80, s5, s17, $0xb8;
	[tilespmem:$0x17000] =	vst v63  }
.Ltmp7:
0x86: {  	_ = 	snop;
	(pc) =	sbr.rel .LBB2_7-.Ltmp7, $4  }
0x87: {  	_ = 	snop  }
0x88: {  	[hbm4b:s8+s4] =	stream.linear.scatter [tilespmem:s13], [sflag:$0x7], $0x2800, $0x38;
	[tilespmem:$0x17000] =	vst v63  }
0x89: {  	_ = 	snop  }
0x8a: {  	[hbm4b:s9+s4] =	stream.linear.scatter [tilespmem:s14], [sflag:$0xA], $0x2800, $0x38;
	[tilespmem:$0x17000] =	vst v63  }
.LBB2_9:
0x8b: {  	_ =	sfence.sel $0x180000  }
0x8c: {  	[bflag:$0x0] =	sbarrier.arrive $0xFFFF  }
0x8d: {  	_ =	strace $0x90000047  }
0x8e: {  	s0 =	stileid.u32;
	[bflag:$0x2] =	sbarrier.arrive $0xFFFF  }
0x8f: {  	p0 =	sne.s32 s0, $0x0;
	s0 =	rddreg [dreg:$0x3]  }
0x90: {  	s0 =	sadd.s32 @!p0 $0x100000, s0  }
0x91: {  	[sflag:s0] =	ssyncadd.tile.s32 @!p0 $0x1;
	_ =	shalt  }
.Lfunc_end2:
_tile_overlayer_lowered:
.L_overlay_start_2:
0x92: {  	(tag) =	ssettag $0x2  }
0x93: {  	s0 =	rddreg [dreg:$0x0];
	s2 =	stileid.u32  }
0x94: {  	s1 =	rddreg [dreg:$0x1];
	p0 =	sne.s32 s2, $0x0  }
0x95: {  	s3 =	rddreg [dreg:$0x2];
	[bflag:$0x3] =	sbarrier.arrive $0xFFFF;
	s2 =	simm.s32 @!p0 $0x1C0D  }
0x96: {  	[timem:s3], [sflag:s2] =	dma.local @!p0 [hbm:s0], s1  }
0x97: {  	s0 =	simm.s32 @!p0 $0xD  }
0x98: {  	_ =	swait.ge @!p0 [sflag:s0], s1  }
0x99: {  	s1 =	ssub.s32 @!p0 $0x0, s1;
	[sflag:s0] =	ssyncset.done @!p0 $0x0  }
0x9a: {  	[sflag:s0] =	ssyncadd.s32 @!p0 s1  }
0x9b: {  	[bflag:$0x3] =	sbarrier.arrive $0xFFFF  }
0x9c: {  	_ =	shalt  }

</sc_bundles>
